<compile_context>
chip_gen: v7x
topology: tpu7x:2x2x1
jax: 0.10.2.dev20260603
libtpu: 0.0.44.dev20260713+nightly
codegen_flags: <defaults>
</compile_context>

<pallas_src>
import functools

import jax
import jax.numpy as jnp
from jax import lax
from jax.experimental import pallas as pl
from jax.experimental.pallas import tpu as pltpu
from jax.experimental.pallas import tpu_sc as plsc

P, C, D = 64, 64, 256
S, K = 2048, 2
NC, NS, L = 2, 16, 16
TPW = S // NS
DH = D // NC
PPW = P // NS


def _tc_dense_body(keys0_ref, keys1_ref, values_ref, states_ref,
                   scaled_ref, smean_ref):
    v = values_ref[...]
    ks0 = jnp.sum(keys0_ref[...], axis=1, keepdims=True) * (1.0 / C)
    ks1 = jnp.sum(keys1_ref[...], axis=1, keepdims=True) * (1.0 / C)
    scaled_ref[0] = ks0 * v
    scaled_ref[1] = ks1 * v
    smean_ref[...] = jnp.mean(states_ref[...], axis=1)


def _tc_dense(keys, values, states):
    return pl.pallas_call(
        _tc_dense_body,
        out_shape=(
            jax.ShapeDtypeStruct((K, S, D), jnp.float32),
            jax.ShapeDtypeStruct((P, D), jnp.float32),
        ),
    )(keys[:, 0, :], keys[:, 1, :], values, states)


_sc_mesh = plsc.VectorSubcoreMesh(core_axis_name="c", subcore_axis_name="s")


@functools.partial(
    pl.kernel,
    mesh=_sc_mesh,
    out_type=jax.ShapeDtypeStruct((S, D), jnp.float32),
    scratch_types=[
        pltpu.VMEM((K * TPW, DH), jnp.float32),
        pltpu.VMEM((TPW, DH), jnp.float32),
        pltpu.VMEM((K, TPW), jnp.int32),
        pltpu.VMEM((PPW, DH), jnp.float32),
        pltpu.VMEM_SHARED((P, DH), jnp.float32),
        pltpu.SemaphoreType.DMA,
        pltpu.SemaphoreType.DMA,
        pltpu.SemaphoreType.DMA,
        pltpu.SemaphoreType.DMA,
    ],
)
def _sc_scatter_gather(idx_hbm, scaled_hbm, smean_hbm, q_hbm, out_hbm,
                       sbuf, qbuf, ibuf, tbuf, shared, ssem, qsem,
                       gsem0, gsem1):
    cid = lax.axis_index("c")
    sid = lax.axis_index("s")
    t0 = sid * TPW
    c0 = cid * DH

    scp = [
        pltpu.async_copy(
            scaled_hbm.at[k, pl.ds(t0, TPW), pl.ds(c0, DH)],
            sbuf.at[pl.ds(k * TPW, TPW)],
            ssem,
        )
        for k in range(K)
    ]
    qcp = pltpu.async_copy(q_hbm.at[pl.ds(t0, TPW), pl.ds(c0, DH)], qbuf, qsem)
    pltpu.sync_copy(smean_hbm.at[pl.ds(sid * PPW, PPW), pl.ds(c0, DH)], tbuf)
    pltpu.sync_copy(tbuf, shared.at[pl.ds(sid * PPW, PPW)])
    pltpu.sync_copy(idx_hbm.at[sid], ibuf)
    plsc.subcore_barrier()

    for cp in scp:
        cp.wait()
    wcp = [
        pltpu.async_copy(sbuf.at[pl.ds(k * TPW, TPW)],
                         shared.at[ibuf.at[k]], ssem, add=True)
        for k in range(K)
    ]
    for cp in wcp:
        cp.wait()
    plsc.subcore_barrier()

    H = TPW // 2
    gsems = (gsem0, gsem1)
    gcps = [
        [
            pltpu.async_copy(
                shared.at[ibuf.at[k, pl.ds(h * H, H)]],
                sbuf.at[pl.ds(k * TPW + h * H, H)],
                gsems[h],
            )
            for k in range(K)
        ]
        for h in range(2)
    ]
    qcp.wait()

    def tok(t, carry):
        for j in range(DH // L):
            sl = pl.ds(j * L, L)
            g = sbuf[t, sl] + sbuf[TPW + t, sl]
            qbuf[t, sl] = g * qbuf[t, sl]
        return carry

    for cp in gcps[0]:
        cp.wait()
    lax.fori_loop(0, H, tok, 0)
    for cp in gcps[1]:
        cp.wait()
    lax.fori_loop(H, TPW, tok, 0)
    pltpu.sync_copy(qbuf, out_hbm.at[pl.ds(t0, TPW), pl.ds(c0, DH)])


def kernel(partition_indices, keys, values, queries, states):
    b, s, k = partition_indices.shape
    assert (b, s, k) == (1, S, K)
    keys2 = keys.reshape(S, K, C)
    values2 = values.reshape(S, D)
    queries2 = queries.reshape(S, D)

    scaled, smean = _tc_dense(keys2, values2, states)

    idx3 = (partition_indices.reshape(S, K)
            .reshape(NS, TPW, K)
            .transpose(0, 2, 1)
            .astype(jnp.int32))

    out2 = _sc_scatter_gather(idx3, scaled, smean, queries2)
    return out2.reshape(1, S, D)

# --- scband reference (transcript-rebuilt; emitter-appended) ---
"""Pipeline reference for scband-naive-multi-partition-state-89300960019112 (READ-ONLY COPY).

The authoritative reference and input builder live on the scoring server;
editing this copy changes nothing except your own understanding.
"""

import jax, jax.numpy as jnp
import numpy as np

P, C, D = 64, 64, 256
B, S, K = 1, 2048, 2

def setup_inputs(seed: int = 0) -> dict:
    key = jax.random.key(seed)
    k1, k2, k3, k4 = jax.random.split(key, 4)
    partition_indices = jax.random.randint(k1, (B, S, K), 0, P, dtype=jnp.int32)
    keys = jax.random.normal(k2, (B, S, K, C), dtype=jnp.float32)
    values = jax.random.normal(k3, (B, S, D), dtype=jnp.float32)
    queries = jax.random.normal(k4, (B, S, D), dtype=jnp.float32)
    states = jnp.zeros((P, C, D), dtype=jnp.float32)
    return {"partition_indices": partition_indices, "keys": keys, "values": values, "queries": queries, "states": states}

def reference(partition_indices, keys, values, queries, states):
    b, s, k = partition_indices.shape
    c = keys.shape[-1]
    d = values.shape[-1]
    p = states.shape[0]
    # ---- update(): accumulate outer(k_t, v_t) into the selected partition ----
    idx = partition_indices.reshape(-1)                       # (b*s*k,)
    kf = keys.reshape(-1, c)                                  # (b*s*k, c)
    vf = jnp.broadcast_to(values[:, :, None, :], (b, s, k, d)).reshape(-1, d)  # (b*s*k, d)
    outers = kf[:, :, None] * vf[:, None, :]                  # (b*s*k, c, d)
    delta = jnp.zeros((p, c, d), dtype=keys.dtype).at[idx].add(outers)
    state = states + delta                                    # forward value of states after update
    # ---- read(): output_t = sum_i state[p_i].mean(axis=0) * q_t ----
    state_mean = state.mean(axis=1)                           # (p, d)  == state.mean(dim=0) per partition
    gathered = state_mean[partition_indices]                  # (b, s, k, d)
    out = gathered.sum(axis=2) * queries                      # (b, s, d)
    return out

if __name__ == "__main__":
    import jax
    _d = setup_inputs()
    print(jax.jit(kernel)(*tuple(_d.values())))

</pallas_src>

<mosaic_0001>
#map = affine_map<(d0, d1) -> (0, 0, 0)>
#map1 = affine_map<(d0, d1) -> (0, 0)>
module attributes {stable_mosaic.version = 14 : i64} {
  func.func @_sc_scatter_gather(%arg0: i32, %arg1: i32, %arg2: memref<16x2x128xi32, #tpu.memory_space<hbm>>, %arg3: memref<2x2048x256xf32, #tpu.memory_space<hbm>>, %arg4: memref<64x256xf32, #tpu.memory_space<hbm>>, %arg5: memref<2048x256xf32, #tpu.memory_space<hbm>>, %arg6: memref<2048x256xf32, #tpu.memory_space<hbm>>, %arg7: memref<256x128xf32, #tpu.memory_space<vmem>>, %arg8: memref<128x128xf32, #tpu.memory_space<vmem>>, %arg9: memref<2x128xi32, #tpu.memory_space<vmem>>, %arg10: memref<4x128xf32, #tpu.memory_space<vmem>>, %arg11: memref<64x128xf32, #tpu.memory_space<vmem_shared>>, %arg12: memref<!tpu.dma_semaphore, #tpu.memory_space<semaphore_mem>>, %arg13: memref<!tpu.dma_semaphore, #tpu.memory_space<semaphore_mem>>, %arg14: memref<!tpu.dma_semaphore, #tpu.memory_space<semaphore_mem>>, %arg15: memref<!tpu.dma_semaphore, #tpu.memory_space<semaphore_mem>>) attributes {dimension_semantics = [#tpu.dimension_semantics<core_parallel>, #tpu.dimension_semantics<subcore_parallel>], iteration_bounds = array<i64: 2, 16>, scalar_prefetch = 0 : i64, scratch_operands = 9 : i64, tpu.core_type = #tpu.core_type<sc_vector_subcore>, window_params = [{transform_indices = #map}, {transform_indices = #map}, {transform_indices = #map1}, {transform_indices = #map1}, {transform_indices = #map1}]} {
    %mul3A = arith.constant 128 : i32
    %mul3A_0 = arith.muli %arg1, %mul3A : i32
    %mul3A_1 = arith.constant 128 : i32
    %mul3A_2 = arith.muli %arg0, %mul3A_1 : i32
    %dma_start3A = arith.constant 0 : i32
    %dma_start3A_3 = arith.constant 0 : i32
    %dma_start3A_4 = arith.constant 0 : i32
    %dma_start3A_5 = tpu.memref_slice %arg7[%dma_start3A_3, %dma_start3A_4] : memref<256x128xf32, #tpu.memory_space<vmem>> -> memref<128x128xf32, #tpu.memory_space<vmem>>
    %dma_start3A_6 = tpu.memref_slice %arg3[%dma_start3A, %mul3A_0, %mul3A_2] : memref<2x2048x256xf32, #tpu.memory_space<hbm>> -> memref<1x128x128xf32, #tpu.memory_space<hbm>>
    %dma_start3A_7 = tpu.memref_squeeze %dma_start3A_6 : memref<1x128x128xf32, #tpu.memory_space<hbm>> -> memref<128x128xf32, #tpu.memory_space<hbm>>
    %dma_start3A_8 = arith.constant 0 : i32
    %dma_start3A_9 = arith.constant 0 : i32
    %dma_start3A_10 = tpu.memref_slice %arg7[%dma_start3A_8, %dma_start3A_9] : memref<256x128xf32, #tpu.memory_space<vmem>> -> memref<128x128xf32, #tpu.memory_space<vmem>>
    %dma_start3A_11 = tpu.memref_slice %arg3[%dma_start3A, %mul3A_0, %mul3A_2] : memref<2x2048x256xf32, #tpu.memory_space<hbm>> -> memref<1x128x128xf32, #tpu.memory_space<hbm>>
    %dma_start3A_12 = tpu.memref_squeeze %dma_start3A_11 : memref<1x128x128xf32, #tpu.memory_space<hbm>> -> memref<128x128xf32, #tpu.memory_space<hbm>>
    tpu.enqueue_dma source(%dma_start3A_12 : memref<128x128xf32, #tpu.memory_space<hbm>>) target(%dma_start3A_10 : memref<128x128xf32, #tpu.memory_space<vmem>>) target_semaphore(%arg12 : memref<!tpu.dma_semaphore, #tpu.memory_space<semaphore_mem>>)
    %dma_start3A_13 = arith.constant 1 : i32
    %dma_start3A_14 = arith.constant 128 : i32
    %dma_start3A_15 = arith.constant 0 : i32
    %dma_start3A_16 = tpu.memref_slice %arg7[%dma_start3A_14, %dma_start3A_15] : memref<256x128xf32, #tpu.memory_space<vmem>> -> memref<128x128xf32, #tpu.memory_space<vmem>>
    %dma_start3A_17 = tpu.memref_slice %arg3[%dma_start3A_13, %mul3A_0, %mul3A_2] : memref<2x2048x256xf32, #tpu.memory_space<hbm>> -> memref<1x128x128xf32, #tpu.memory_space<hbm>>
    %dma_start3A_18 = tpu.memref_squeeze %dma_start3A_17 : memref<1x128x128xf32, #tpu.memory_space<hbm>> -> memref<128x128xf32, #tpu.memory_space<hbm>>
    %dma_start3A_19 = arith.constant 128 : i32
    %dma_start3A_20 = arith.constant 0 : i32
    %dma_start3A_21 = tpu.memref_slice %arg7[%dma_start3A_19, %dma_start3A_20] : memref<256x128xf32, #tpu.memory_space<vmem>> -> memref<128x128xf32, #tpu.memory_space<vmem>>
    %dma_start3A_22 = tpu.memref_slice %arg3[%dma_start3A_13, %mul3A_0, %mul3A_2] : memref<2x2048x256xf32, #tpu.memory_space<hbm>> -> memref<1x128x128xf32, #tpu.memory_space<hbm>>
    %dma_start3A_23 = tpu.memref_squeeze %dma_start3A_22 : memref<1x128x128xf32, #tpu.memory_space<hbm>> -> memref<128x128xf32, #tpu.memory_space<hbm>>
    tpu.enqueue_dma source(%dma_start3A_23 : memref<128x128xf32, #tpu.memory_space<hbm>>) target(%dma_start3A_21 : memref<128x128xf32, #tpu.memory_space<vmem>>) target_semaphore(%arg12 : memref<!tpu.dma_semaphore, #tpu.memory_space<semaphore_mem>>)
    %dma_start3A_24 = tpu.memref_slice %arg5[%mul3A_0, %mul3A_2] : memref<2048x256xf32, #tpu.memory_space<hbm>> -> memref<128x128xf32, #tpu.memory_space<hbm>>
    %dma_start3A_25 = tpu.memref_slice %arg5[%mul3A_0, %mul3A_2] : memref<2048x256xf32, #tpu.memory_space<hbm>> -> memref<128x128xf32, #tpu.memory_space<hbm>>
    tpu.enqueue_dma source(%dma_start3A_25 : memref<128x128xf32, #tpu.memory_space<hbm>>) target(%arg8 : memref<128x128xf32, #tpu.memory_space<vmem>>) target_semaphore(%arg13 : memref<!tpu.dma_semaphore, #tpu.memory_space<semaphore_mem>>)
    %mul3A_26 = arith.constant 4 : i32
    %mul3A_27 = arith.muli %arg1, %mul3A_26 : i32
    "tpu.region"() ({
      %run_scoped3A = tpu.sem_alloc : memref<!tpu.dma_semaphore, #tpu.memory_space<semaphore_mem>>
      %dma_start3A_185 = tpu.memref_slice %arg4[%mul3A_27, %mul3A_2] : memref<64x256xf32, #tpu.memory_space<hbm>> -> memref<4x128xf32, #tpu.memory_space<hbm>>
      %dma_start3A_186 = tpu.memref_slice %arg4[%mul3A_27, %mul3A_2] : memref<64x256xf32, #tpu.memory_space<hbm>> -> memref<4x128xf32, #tpu.memory_space<hbm>>
      tpu.enqueue_dma source(%dma_start3A_186 : memref<4x128xf32, #tpu.memory_space<hbm>>) target(%arg10 : memref<4x128xf32, #tpu.memory_space<vmem>>) target_semaphore(%run_scoped3A : memref<!tpu.dma_semaphore, #tpu.memory_space<semaphore_mem>>)
      %dma_wait3A_187 = tpu.memref_slice %arg4[%mul3A_27, %mul3A_2] : memref<64x256xf32, #tpu.memory_space<hbm>> -> memref<4x128xf32, #tpu.memory_space<hbm>>
      %dma_wait3A_188 = tpu.memref_slice %arg4[%mul3A_27, %mul3A_2] : memref<64x256xf32, #tpu.memory_space<hbm>> -> memref<4x128xf32, #tpu.memory_space<hbm>>
      tpu.wait_dma2 semaphore(%run_scoped3A : memref<!tpu.dma_semaphore, #tpu.memory_space<semaphore_mem>>) src(%dma_wait3A_188 : memref<4x128xf32, #tpu.memory_space<hbm>>) dst(%arg10 : memref<4x128xf32, #tpu.memory_space<vmem>>)
      tpu.yield
    }) : () -> ()
    %mul3A_28 = arith.constant 4 : i32
    %mul3A_29 = arith.muli %arg1, %mul3A_28 : i32
    "tpu.region"() ({
      %run_scoped3A = tpu.sem_alloc : memref<!tpu.dma_semaphore, #tpu.memory_space<semaphore_mem>>
      %dma_start3A_185 = arith.constant 0 : i32
      %dma_start3A_186 = tpu.memref_slice %arg11[%mul3A_29, %dma_start3A_185] : memref<64x128xf32, #tpu.memory_space<vmem_shared>> -> memref<4x128xf32, #tpu.memory_space<vmem_shared>>
      %dma_start3A_187 = arith.constant 0 : i32
      %dma_start3A_188 = tpu.memref_slice %arg11[%mul3A_29, %dma_start3A_187] : memref<64x128xf32, #tpu.memory_space<vmem_shared>> -> memref<4x128xf32, #tpu.memory_space<vmem_shared>>
      tpu.enqueue_dma source(%arg10 : memref<4x128xf32, #tpu.memory_space<vmem>>) target(%dma_start3A_188 : memref<4x128xf32, #tpu.memory_space<vmem_shared>>) target_semaphore(%run_scoped3A : memref<!tpu.dma_semaphore, #tpu.memory_space<semaphore_mem>>)
      %dma_wait3A_189 = arith.constant 0 : i32
      %dma_wait3A_190 = tpu.memref_slice %arg11[%mul3A_29, %dma_wait3A_189] : memref<64x128xf32, #tpu.memory_space<vmem_shared>> -> memref<4x128xf32, #tpu.memory_space<vmem_shared>>
      %dma_wait3A_191 = arith.constant 0 : i32
      %dma_wait3A_192 = tpu.memref_slice %arg11[%mul3A_29, %dma_wait3A_191] : memref<64x128xf32, #tpu.memory_space<vmem_shared>> -> memref<4x128xf32, #tpu.memory_space<vmem_shared>>
      tpu.wait_dma2 semaphore(%run_scoped3A : memref<!tpu.dma_semaphore, #tpu.memory_space<semaphore_mem>>) src(%arg10 : memref<4x128xf32, #tpu.memory_space<vmem>>) dst(%dma_wait3A_192 : memref<4x128xf32, #tpu.memory_space<vmem_shared>>)
      tpu.yield
    }) : () -> ()
    "tpu.region"() ({
      %run_scoped3A = tpu.sem_alloc : memref<!tpu.dma_semaphore, #tpu.memory_space<semaphore_mem>>
      %dma_start3A_185 = arith.constant 0 : i32
      %dma_start3A_186 = arith.constant 0 : i32
      %dma_start3A_187 = tpu.memref_slice %arg2[%arg1, %dma_start3A_185, %dma_start3A_186] : memref<16x2x128xi32, #tpu.memory_space<hbm>> -> memref<1x2x128xi32, #tpu.memory_space<hbm>>
      %dma_start3A_188 = tpu.memref_squeeze %dma_start3A_187 : memref<1x2x128xi32, #tpu.memory_space<hbm>> -> memref<2x128xi32, #tpu.memory_space<hbm>>
      %dma_start3A_189 = arith.constant 0 : i32
      %dma_start3A_190 = arith.constant 0 : i32
      %dma_start3A_191 = tpu.memref_slice %arg2[%arg1, %dma_start3A_189, %dma_start3A_190] : memref<16x2x128xi32, #tpu.memory_space<hbm>> -> memref<1x2x128xi32, #tpu.memory_space<hbm>>
      %dma_start3A_192 = tpu.memref_squeeze %dma_start3A_191 : memref<1x2x128xi32, #tpu.memory_space<hbm>> -> memref<2x128xi32, #tpu.memory_space<hbm>>
      tpu.enqueue_dma source(%dma_start3A_192 : memref<2x128xi32, #tpu.memory_space<hbm>>) target(%arg9 : memref<2x128xi32, #tpu.memory_space<vmem>>) target_semaphore(%run_scoped3A : memref<!tpu.dma_semaphore, #tpu.memory_space<semaphore_mem>>)
      %dma_wait3A_193 = arith.constant 0 : i32
      %dma_wait3A_194 = arith.constant 0 : i32
      %dma_wait3A_195 = tpu.memref_slice %arg2[%arg1, %dma_wait3A_193, %dma_wait3A_194] : memref<16x2x128xi32, #tpu.memory_space<hbm>> -> memref<1x2x128xi32, #tpu.memory_space<hbm>>
      %dma_wait3A_196 = tpu.memref_squeeze %dma_wait3A_195 : memref<1x2x128xi32, #tpu.memory_space<hbm>> -> memref<2x128xi32, #tpu.memory_space<hbm>>
      %dma_wait3A_197 = arith.constant 0 : i32
      %dma_wait3A_198 = arith.constant 0 : i32
      %dma_wait3A_199 = tpu.memref_slice %arg2[%arg1, %dma_wait3A_197, %dma_wait3A_198] : memref<16x2x128xi32, #tpu.memory_space<hbm>> -> memref<1x2x128xi32, #tpu.memory_space<hbm>>
      %dma_wait3A_200 = tpu.memref_squeeze %dma_wait3A_199 : memref<1x2x128xi32, #tpu.memory_space<hbm>> -> memref<2x128xi32, #tpu.memory_space<hbm>>
      tpu.wait_dma2 semaphore(%run_scoped3A : memref<!tpu.dma_semaphore, #tpu.memory_space<semaphore_mem>>) src(%dma_wait3A_200 : memref<2x128xi32, #tpu.memory_space<hbm>>) dst(%arg9 : memref<2x128xi32, #tpu.memory_space<vmem>>)
      tpu.yield
    }) : () -> ()
    %barrier3A = arith.constant 0 : index
    tpu.barrier barrier_id(%barrier3A)
    %dma_wait3A = arith.constant 0 : i32
    %dma_wait3A_30 = arith.constant 0 : i32
    %dma_wait3A_31 = arith.constant 0 : i32
    %dma_wait3A_32 = tpu.memref_slice %arg7[%dma_wait3A_30, %dma_wait3A_31] : memref<256x128xf32, #tpu.memory_space<vmem>> -> memref<128x128xf32, #tpu.memory_space<vmem>>
    %dma_wait3A_33 = tpu.memref_slice %arg3[%dma_wait3A, %mul3A_0, %mul3A_2] : memref<2x2048x256xf32, #tpu.memory_space<hbm>> -> memref<1x128x128xf32, #tpu.memory_space<hbm>>
    %dma_wait3A_34 = tpu.memref_squeeze %dma_wait3A_33 : memref<1x128x128xf32, #tpu.memory_space<hbm>> -> memref<128x128xf32, #tpu.memory_space<hbm>>
    %dma_wait3A_35 = arith.constant 0 : i32
    %dma_wait3A_36 = arith.constant 0 : i32
    %dma_wait3A_37 = tpu.memref_slice %arg7[%dma_wait3A_35, %dma_wait3A_36] : memref<256x128xf32, #tpu.memory_space<vmem>> -> memref<128x128xf32, #tpu.memory_space<vmem>>
    %dma_wait3A_38 = tpu.memref_slice %arg3[%dma_wait3A, %mul3A_0, %mul3A_2] : memref<2x2048x256xf32, #tpu.memory_space<hbm>> -> memref<1x128x128xf32, #tpu.memory_space<hbm>>
    %dma_wait3A_39 = tpu.memref_squeeze %dma_wait3A_38 : memref<1x128x128xf32, #tpu.memory_space<hbm>> -> memref<128x128xf32, #tpu.memory_space<hbm>>
    tpu.wait_dma2 semaphore(%arg12 : memref<!tpu.dma_semaphore, #tpu.memory_space<semaphore_mem>>) src(%dma_wait3A_39 : memref<128x128xf32, #tpu.memory_space<hbm>>) dst(%dma_wait3A_37 : memref<128x128xf32, #tpu.memory_space<vmem>>)
    %dma_wait3A_40 = arith.constant 1 : i32
    %dma_wait3A_41 = arith.constant 128 : i32
    %dma_wait3A_42 = arith.constant 0 : i32
    %dma_wait3A_43 = tpu.memref_slice %arg7[%dma_wait3A_41, %dma_wait3A_42] : memref<256x128xf32, #tpu.memory_space<vmem>> -> memref<128x128xf32, #tpu.memory_space<vmem>>
    %dma_wait3A_44 = tpu.memref_slice %arg3[%dma_wait3A_40, %mul3A_0, %mul3A_2] : memref<2x2048x256xf32, #tpu.memory_space<hbm>> -> memref<1x128x128xf32, #tpu.memory_space<hbm>>
    %dma_wait3A_45 = tpu.memref_squeeze %dma_wait3A_44 : memref<1x128x128xf32, #tpu.memory_space<hbm>> -> memref<128x128xf32, #tpu.memory_space<hbm>>
    %dma_wait3A_46 = arith.constant 128 : i32
    %dma_wait3A_47 = arith.constant 0 : i32
    %dma_wait3A_48 = tpu.memref_slice %arg7[%dma_wait3A_46, %dma_wait3A_47] : memref<256x128xf32, #tpu.memory_space<vmem>> -> memref<128x128xf32, #tpu.memory_space<vmem>>
    %dma_wait3A_49 = tpu.memref_slice %arg3[%dma_wait3A_40, %mul3A_0, %mul3A_2] : memref<2x2048x256xf32, #tpu.memory_space<hbm>> -> memref<1x128x128xf32, #tpu.memory_space<hbm>>
    %dma_wait3A_50 = tpu.memref_squeeze %dma_wait3A_49 : memref<1x128x128xf32, #tpu.memory_space<hbm>> -> memref<128x128xf32, #tpu.memory_space<hbm>>
    tpu.wait_dma2 semaphore(%arg12 : memref<!tpu.dma_semaphore, #tpu.memory_space<semaphore_mem>>) src(%dma_wait3A_50 : memref<128x128xf32, #tpu.memory_space<hbm>>) dst(%dma_wait3A_48 : memref<128x128xf32, #tpu.memory_space<vmem>>)
    %dma_start3A_51 = arith.constant 0 : i32
    %dma_start3A_52 = arith.constant 0 : i32
    %dma_start3A_53 = arith.constant 0 : i32
    %dma_start3A_54 = tpu.memref_slice %arg7[%dma_start3A_52, %dma_start3A_53] : memref<256x128xf32, #tpu.memory_space<vmem>> -> memref<128x128xf32, #tpu.memory_space<vmem>>
    %dma_start3A_55 = arith.constant 0 : i32
    %dma_start3A_56 = tpu.memref_slice %arg9[%dma_start3A_51, %dma_start3A_55] : memref<2x128xi32, #tpu.memory_space<vmem>> -> memref<1x128xi32, #tpu.memory_space<vmem>>
    %dma_start3A_57 = tpu.memref_squeeze %dma_start3A_56 : memref<1x128xi32, #tpu.memory_space<vmem>> -> memref<128xi32, #tpu.memory_space<vmem>>
    %dma_start3A_58 = arith.constant 0 : i32
    %dma_start3A_59 = arith.constant 0 : i32
    %dma_start3A_60 = tpu.memref_slice %arg11[%dma_start3A_58, %dma_start3A_59] : memref<64x128xf32, #tpu.memory_space<vmem_shared>> -> memref<64x128xf32, #tpu.memory_space<vmem_shared>>
    tpu.enqueue_indirect_dma source(%dma_start3A_54 : memref<128x128xf32, #tpu.memory_space<vmem>>) target(%dma_start3A_60 : memref<64x128xf32, #tpu.memory_space<vmem_shared>>) offsets(%dma_start3A_57 : memref<128xi32, #tpu.memory_space<vmem>>) semaphore(%arg12 : memref<!tpu.dma_semaphore, #tpu.memory_space<semaphore_mem>>) {add = true}
    %dma_start3A_61 = arith.constant 1 : i32
    %dma_start3A_62 = arith.constant 128 : i32
    %dma_start3A_63 = arith.constant 0 : i32
    %dma_start3A_64 = tpu.memref_slice %arg7[%dma_start3A_62, %dma_start3A_63] : memref<256x128xf32, #tpu.memory_space<vmem>> -> memref<128x128xf32, #tpu.memory_space<vmem>>
    %dma_start3A_65 = arith.constant 0 : i32
    %dma_start3A_66 = tpu.memref_slice %arg9[%dma_start3A_61, %dma_start3A_65] : memref<2x128xi32, #tpu.memory_space<vmem>> -> memref<1x128xi32, #tpu.memory_space<vmem>>
    %dma_start3A_67 = tpu.memref_squeeze %dma_start3A_66 : memref<1x128xi32, #tpu.memory_space<vmem>> -> memref<128xi32, #tpu.memory_space<vmem>>
    %dma_start3A_68 = arith.constant 0 : i32
    %dma_start3A_69 = arith.constant 0 : i32
    %dma_start3A_70 = tpu.memref_slice %arg11[%dma_start3A_68, %dma_start3A_69] : memref<64x128xf32, #tpu.memory_space<vmem_shared>> -> memref<64x128xf32, #tpu.memory_space<vmem_shared>>
    tpu.enqueue_indirect_dma source(%dma_start3A_64 : memref<128x128xf32, #tpu.memory_space<vmem>>) target(%dma_start3A_70 : memref<64x128xf32, #tpu.memory_space<vmem_shared>>) offsets(%dma_start3A_67 : memref<128xi32, #tpu.memory_space<vmem>>) semaphore(%arg12 : memref<!tpu.dma_semaphore, #tpu.memory_space<semaphore_mem>>) {add = true}
    %dma_wait3A_71 = arith.constant 0 : i32
    %dma_wait3A_72 = arith.constant 0 : i32
    %dma_wait3A_73 = arith.constant 0 : i32
    %dma_wait3A_74 = tpu.memref_slice %arg7[%dma_wait3A_72, %dma_wait3A_73] : memref<256x128xf32, #tpu.memory_space<vmem>> -> memref<128x128xf32, #tpu.memory_space<vmem>>
    %dma_wait3A_75 = arith.constant 0 : i32
    %dma_wait3A_76 = tpu.memref_slice %arg9[%dma_wait3A_71, %dma_wait3A_75] : memref<2x128xi32, #tpu.memory_space<vmem>> -> memref<1x128xi32, #tpu.memory_space<vmem>>
    %dma_wait3A_77 = tpu.memref_squeeze %dma_wait3A_76 : memref<1x128xi32, #tpu.memory_space<vmem>> -> memref<128xi32, #tpu.memory_space<vmem>>
    %dma_wait3A_78 = arith.constant 0 : i32
    %dma_wait3A_79 = arith.constant 0 : i32
    %dma_wait3A_80 = tpu.memref_slice %arg11[%dma_wait3A_78, %dma_wait3A_79] : memref<64x128xf32, #tpu.memory_space<vmem_shared>> -> memref<64x128xf32, #tpu.memory_space<vmem_shared>>
    tpu.wait_indirect_dma semaphore(%arg12 : memref<!tpu.dma_semaphore, #tpu.memory_space<semaphore_mem>>) src(%dma_wait3A_74 : memref<128x128xf32, #tpu.memory_space<vmem>>) dst(%dma_wait3A_80 : memref<64x128xf32, #tpu.memory_space<vmem_shared>>)
    %dma_wait3A_81 = arith.constant 1 : i32
    %dma_wait3A_82 = arith.constant 128 : i32
    %dma_wait3A_83 = arith.constant 0 : i32
    %dma_wait3A_84 = tpu.memref_slice %arg7[%dma_wait3A_82, %dma_wait3A_83] : memref<256x128xf32, #tpu.memory_space<vmem>> -> memref<128x128xf32, #tpu.memory_space<vmem>>
    %dma_wait3A_85 = arith.constant 0 : i32
    %dma_wait3A_86 = tpu.memref_slice %arg9[%dma_wait3A_81, %dma_wait3A_85] : memref<2x128xi32, #tpu.memory_space<vmem>> -> memref<1x128xi32, #tpu.memory_space<vmem>>
    %dma_wait3A_87 = tpu.memref_squeeze %dma_wait3A_86 : memref<1x128xi32, #tpu.memory_space<vmem>> -> memref<128xi32, #tpu.memory_space<vmem>>
    %dma_wait3A_88 = arith.constant 0 : i32
    %dma_wait3A_89 = arith.constant 0 : i32
    %dma_wait3A_90 = tpu.memref_slice %arg11[%dma_wait3A_88, %dma_wait3A_89] : memref<64x128xf32, #tpu.memory_space<vmem_shared>> -> memref<64x128xf32, #tpu.memory_space<vmem_shared>>
    tpu.wait_indirect_dma semaphore(%arg12 : memref<!tpu.dma_semaphore, #tpu.memory_space<semaphore_mem>>) src(%dma_wait3A_84 : memref<128x128xf32, #tpu.memory_space<vmem>>) dst(%dma_wait3A_90 : memref<64x128xf32, #tpu.memory_space<vmem_shared>>)
    %barrier3A_91 = arith.constant 0 : index
    tpu.barrier barrier_id(%barrier3A_91)
    %dma_start3A_92 = arith.constant 0 : i32
    %dma_start3A_93 = arith.constant 0 : i32
    %dma_start3A_94 = arith.constant 0 : i32
    %dma_start3A_95 = tpu.memref_slice %arg7[%dma_start3A_93, %dma_start3A_94] : memref<256x128xf32, #tpu.memory_space<vmem>> -> memref<64x128xf32, #tpu.memory_space<vmem>>
    %dma_start3A_96 = arith.constant 0 : i32
    %dma_start3A_97 = tpu.memref_slice %arg9[%dma_start3A_92, %dma_start3A_96] : memref<2x128xi32, #tpu.memory_space<vmem>> -> memref<1x64xi32, #tpu.memory_space<vmem>>
    %dma_start3A_98 = tpu.memref_squeeze %dma_start3A_97 : memref<1x64xi32, #tpu.memory_space<vmem>> -> memref<64xi32, #tpu.memory_space<vmem>>
    %dma_start3A_99 = arith.constant 0 : i32
    %dma_start3A_100 = arith.constant 0 : i32
    %dma_start3A_101 = tpu.memref_slice %arg11[%dma_start3A_99, %dma_start3A_100] : memref<64x128xf32, #tpu.memory_space<vmem_shared>> -> memref<64x128xf32, #tpu.memory_space<vmem_shared>>
    tpu.enqueue_indirect_dma source(%dma_start3A_101 : memref<64x128xf32, #tpu.memory_space<vmem_shared>>) target(%dma_start3A_95 : memref<64x128xf32, #tpu.memory_space<vmem>>) offsets(%dma_start3A_98 : memref<64xi32, #tpu.memory_space<vmem>>) semaphore(%arg14 : memref<!tpu.dma_semaphore, #tpu.memory_space<semaphore_mem>>)
    %dma_start3A_102 = arith.constant 1 : i32
    %dma_start3A_103 = arith.constant 128 : i32
    %dma_start3A_104 = arith.constant 0 : i32
    %dma_start3A_105 = tpu.memref_slice %arg7[%dma_start3A_103, %dma_start3A_104] : memref<256x128xf32, #tpu.memory_space<vmem>> -> memref<64x128xf32, #tpu.memory_space<vmem>>
    %dma_start3A_106 = arith.constant 0 : i32
    %dma_start3A_107 = tpu.memref_slice %arg9[%dma_start3A_102, %dma_start3A_106] : memref<2x128xi32, #tpu.memory_space<vmem>> -> memref<1x64xi32, #tpu.memory_space<vmem>>
    %dma_start3A_108 = tpu.memref_squeeze %dma_start3A_107 : memref<1x64xi32, #tpu.memory_space<vmem>> -> memref<64xi32, #tpu.memory_space<vmem>>
    %dma_start3A_109 = arith.constant 0 : i32
    %dma_start3A_110 = arith.constant 0 : i32
    %dma_start3A_111 = tpu.memref_slice %arg11[%dma_start3A_109, %dma_start3A_110] : memref<64x128xf32, #tpu.memory_space<vmem_shared>> -> memref<64x128xf32, #tpu.memory_space<vmem_shared>>
    tpu.enqueue_indirect_dma source(%dma_start3A_111 : memref<64x128xf32, #tpu.memory_space<vmem_shared>>) target(%dma_start3A_105 : memref<64x128xf32, #tpu.memory_space<vmem>>) offsets(%dma_start3A_108 : memref<64xi32, #tpu.memory_space<vmem>>) semaphore(%arg14 : memref<!tpu.dma_semaphore, #tpu.memory_space<semaphore_mem>>)
    %dma_start3A_112 = arith.constant 0 : i32
    %dma_start3A_113 = arith.constant 64 : i32
    %dma_start3A_114 = arith.constant 0 : i32
    %dma_start3A_115 = tpu.memref_slice %arg7[%dma_start3A_113, %dma_start3A_114] : memref<256x128xf32, #tpu.memory_space<vmem>> -> memref<64x128xf32, #tpu.memory_space<vmem>>
    %dma_start3A_116 = arith.constant 64 : i32
    %dma_start3A_117 = tpu.memref_slice %arg9[%dma_start3A_112, %dma_start3A_116] : memref<2x128xi32, #tpu.memory_space<vmem>> -> memref<1x64xi32, #tpu.memory_space<vmem>>
    %dma_start3A_118 = tpu.memref_squeeze %dma_start3A_117 : memref<1x64xi32, #tpu.memory_space<vmem>> -> memref<64xi32, #tpu.memory_space<vmem>>
    %dma_start3A_119 = arith.constant 0 : i32
    %dma_start3A_120 = arith.constant 0 : i32
    %dma_start3A_121 = tpu.memref_slice %arg11[%dma_start3A_119, %dma_start3A_120] : memref<64x128xf32, #tpu.memory_space<vmem_shared>> -> memref<64x128xf32, #tpu.memory_space<vmem_shared>>
    tpu.enqueue_indirect_dma source(%dma_start3A_121 : memref<64x128xf32, #tpu.memory_space<vmem_shared>>) target(%dma_start3A_115 : memref<64x128xf32, #tpu.memory_space<vmem>>) offsets(%dma_start3A_118 : memref<64xi32, #tpu.memory_space<vmem>>) semaphore(%arg15 : memref<!tpu.dma_semaphore, #tpu.memory_space<semaphore_mem>>)
    %dma_start3A_122 = arith.constant 1 : i32
    %dma_start3A_123 = arith.constant 192 : i32
    %dma_start3A_124 = arith.constant 0 : i32
    %dma_start3A_125 = tpu.memref_slice %arg7[%dma_start3A_123, %dma_start3A_124] : memref<256x128xf32, #tpu.memory_space<vmem>> -> memref<64x128xf32, #tpu.memory_space<vmem>>
    %dma_start3A_126 = arith.constant 64 : i32
    %dma_start3A_127 = tpu.memref_slice %arg9[%dma_start3A_122, %dma_start3A_126] : memref<2x128xi32, #tpu.memory_space<vmem>> -> memref<1x64xi32, #tpu.memory_space<vmem>>
    %dma_start3A_128 = tpu.memref_squeeze %dma_start3A_127 : memref<1x64xi32, #tpu.memory_space<vmem>> -> memref<64xi32, #tpu.memory_space<vmem>>
    %dma_start3A_129 = arith.constant 0 : i32
    %dma_start3A_130 = arith.constant 0 : i32
    %dma_start3A_131 = tpu.memref_slice %arg11[%dma_start3A_129, %dma_start3A_130] : memref<64x128xf32, #tpu.memory_space<vmem_shared>> -> memref<64x128xf32, #tpu.memory_space<vmem_shared>>
    tpu.enqueue_indirect_dma source(%dma_start3A_131 : memref<64x128xf32, #tpu.memory_space<vmem_shared>>) target(%dma_start3A_125 : memref<64x128xf32, #tpu.memory_space<vmem>>) offsets(%dma_start3A_128 : memref<64xi32, #tpu.memory_space<vmem>>) semaphore(%arg15 : memref<!tpu.dma_semaphore, #tpu.memory_space<semaphore_mem>>)
    %dma_wait3A_132 = tpu.memref_slice %arg5[%mul3A_0, %mul3A_2] : memref<2048x256xf32, #tpu.memory_space<hbm>> -> memref<128x128xf32, #tpu.memory_space<hbm>>
    %dma_wait3A_133 = tpu.memref_slice %arg5[%mul3A_0, %mul3A_2] : memref<2048x256xf32, #tpu.memory_space<hbm>> -> memref<128x128xf32, #tpu.memory_space<hbm>>
    tpu.wait_dma2 semaphore(%arg13 : memref<!tpu.dma_semaphore, #tpu.memory_space<semaphore_mem>>) src(%dma_wait3A_133 : memref<128x128xf32, #tpu.memory_space<hbm>>) dst(%arg8 : memref<128x128xf32, #tpu.memory_space<vmem>>)
    %dma_wait3A_134 = arith.constant 0 : i32
    %dma_wait3A_135 = arith.constant 0 : i32
    %dma_wait3A_136 = arith.constant 0 : i32
    %dma_wait3A_137 = tpu.memref_slice %arg7[%dma_wait3A_135, %dma_wait3A_136] : memref<256x128xf32, #tpu.memory_space<vmem>> -> memref<64x128xf32, #tpu.memory_space<vmem>>
    %dma_wait3A_138 = arith.constant 0 : i32
    %dma_wait3A_139 = tpu.memref_slice %arg9[%dma_wait3A_134, %dma_wait3A_138] : memref<2x128xi32, #tpu.memory_space<vmem>> -> memref<1x64xi32, #tpu.memory_space<vmem>>
    %dma_wait3A_140 = tpu.memref_squeeze %dma_wait3A_139 : memref<1x64xi32, #tpu.memory_space<vmem>> -> memref<64xi32, #tpu.memory_space<vmem>>
    %dma_wait3A_141 = arith.constant 0 : i32
    %dma_wait3A_142 = arith.constant 0 : i32
    %dma_wait3A_143 = tpu.memref_slice %arg11[%dma_wait3A_141, %dma_wait3A_142] : memref<64x128xf32, #tpu.memory_space<vmem_shared>> -> memref<64x128xf32, #tpu.memory_space<vmem_shared>>
    tpu.wait_indirect_dma semaphore(%arg14 : memref<!tpu.dma_semaphore, #tpu.memory_space<semaphore_mem>>) src(%dma_wait3A_143 : memref<64x128xf32, #tpu.memory_space<vmem_shared>>) dst(%dma_wait3A_137 : memref<64x128xf32, #tpu.memory_space<vmem>>)
    %dma_wait3A_144 = arith.constant 1 : i32
    %dma_wait3A_145 = arith.constant 128 : i32
    %dma_wait3A_146 = arith.constant 0 : i32
    %dma_wait3A_147 = tpu.memref_slice %arg7[%dma_wait3A_145, %dma_wait3A_146] : memref<256x128xf32, #tpu.memory_space<vmem>> -> memref<64x128xf32, #tpu.memory_space<vmem>>
    %dma_wait3A_148 = arith.constant 0 : i32
    %dma_wait3A_149 = tpu.memref_slice %arg9[%dma_wait3A_144, %dma_wait3A_148] : memref<2x128xi32, #tpu.memory_space<vmem>> -> memref<1x64xi32, #tpu.memory_space<vmem>>
    %dma_wait3A_150 = tpu.memref_squeeze %dma_wait3A_149 : memref<1x64xi32, #tpu.memory_space<vmem>> -> memref<64xi32, #tpu.memory_space<vmem>>
    %dma_wait3A_151 = arith.constant 0 : i32
    %dma_wait3A_152 = arith.constant 0 : i32
    %dma_wait3A_153 = tpu.memref_slice %arg11[%dma_wait3A_151, %dma_wait3A_152] : memref<64x128xf32, #tpu.memory_space<vmem_shared>> -> memref<64x128xf32, #tpu.memory_space<vmem_shared>>
    tpu.wait_indirect_dma semaphore(%arg14 : memref<!tpu.dma_semaphore, #tpu.memory_space<semaphore_mem>>) src(%dma_wait3A_153 : memref<64x128xf32, #tpu.memory_space<vmem_shared>>) dst(%dma_wait3A_147 : memref<64x128xf32, #tpu.memory_space<vmem>>)
    %scan3A = arith.constant 0 : i32
    %scan3A_154 = arith.constant 0 : i32
    %scan3A_155 = arith.constant 64 : i32
    %scan3A_156 = arith.addi %scan3A_154, %scan3A_155 : i32
    %scan3A_157 = arith.constant 1 : i32
    scf.for %scan3A_185 = %scan3A_154 to %scan3A_156 step %scan3A_157  : i32 {
      %get3A = arith.index_cast %scan3A_185 : i32 to index
      %get3A_186 = arith.constant 0 : index
      %get3A_187 = tpu.vector_load %arg7[%get3A, %get3A_186] {strides = array<i32>} : memref<256x128xf32, #tpu.memory_space<vmem>>, vector<1x16xf32>,
      %get3A_188 = vector.shape_cast %get3A_187 : vector<1x16xf32> to vector<16xf32>
      %add3A = arith.constant 128 : i32
      %add3A_189 = arith.addi %add3A, %scan3A_185 : i32
      %get3A_190 = arith.index_cast %add3A_189 : i32 to index
      %get3A_191 = arith.constant 0 : index
      %get3A_192 = tpu.vector_load %arg7[%get3A_190, %get3A_191] {strides = array<i32>} : memref<256x128xf32, #tpu.memory_space<vmem>>, vector<1x16xf32>,
      %get3A_193 = vector.shape_cast %get3A_192 : vector<1x16xf32> to vector<16xf32>
      %add3A_194 = arith.addf %get3A_188, %get3A_193 : vector<16xf32>
      %get3A_195 = arith.index_cast %scan3A_185 : i32 to index
      %get3A_196 = arith.constant 0 : index
      %get3A_197 = tpu.vector_load %arg8[%get3A_195, %get3A_196] {strides = array<i32>} : memref<128x128xf32, #tpu.memory_space<vmem>>, vector<1x16xf32>,
      %get3A_198 = vector.shape_cast %get3A_197 : vector<1x16xf32> to vector<16xf32>
      %mul3A_199 = arith.mulf %add3A_194, %get3A_198 : vector<16xf32>
      %swap3A = arith.index_cast %scan3A_185 : i32 to index
      %swap3A_200 = arith.constant 0 : index
      %swap3A_201 = tpu.vector_load %arg8[%swap3A, %swap3A_200] {strides = array<i32>} : memref<128x128xf32, #tpu.memory_space<vmem>>, vector<1x16xf32>,
      %swap3A_202 = vector.shape_cast %swap3A_201 : vector<1x16xf32> to vector<16xf32>
      %swap3A_203 = vector.shape_cast %mul3A_199 : vector<16xf32> to vector<1x16xf32>
      tpu.vector_store %arg8[%swap3A, %swap3A_200], %swap3A_203 {strides = array<i32>} : memref<128x128xf32, #tpu.memory_space<vmem>>, vector<1x16xf32>,
      %get3A_204 = arith.index_cast %scan3A_185 : i32 to index
      %get3A_205 = arith.constant 16 : index
      %get3A_206 = tpu.vector_load %arg7[%get3A_204, %get3A_205] {strides = array<i32>} : memref<256x128xf32, #tpu.memory_space<vmem>>, vector<1x16xf32>,
      %get3A_207 = vector.shape_cast %get3A_206 : vector<1x16xf32> to vector<16xf32>
      %add3A_208 = arith.constant 128 : i32
      %add3A_209 = arith.addi %add3A_208, %scan3A_185 : i32
      %get3A_210 = arith.index_cast %add3A_209 : i32 to index
      %get3A_211 = arith.constant 16 : index
      %get3A_212 = tpu.vector_load %arg7[%get3A_210, %get3A_211] {strides = array<i32>} : memref<256x128xf32, #tpu.memory_space<vmem>>, vector<1x16xf32>,
      %get3A_213 = vector.shape_cast %get3A_212 : vector<1x16xf32> to vector<16xf32>
      %add3A_214 = arith.addf %get3A_207, %get3A_213 : vector<16xf32>
      %get3A_215 = arith.index_cast %scan3A_185 : i32 to index
      %get3A_216 = arith.constant 16 : index
      %get3A_217 = tpu.vector_load %arg8[%get3A_215, %get3A_216] {strides = array<i32>} : memref<128x128xf32, #tpu.memory_space<vmem>>, vector<1x16xf32>,
      %get3A_218 = vector.shape_cast %get3A_217 : vector<1x16xf32> to vector<16xf32>
      %mul3A_219 = arith.mulf %add3A_214, %get3A_218 : vector<16xf32>
      %swap3A_220 = arith.index_cast %scan3A_185 : i32 to index
      %swap3A_221 = arith.constant 16 : index
      %swap3A_222 = tpu.vector_load %arg8[%swap3A_220, %swap3A_221] {strides = array<i32>} : memref<128x128xf32, #tpu.memory_space<vmem>>, vector<1x16xf32>,
      %swap3A_223 = vector.shape_cast %swap3A_222 : vector<1x16xf32> to vector<16xf32>
      %swap3A_224 = vector.shape_cast %mul3A_219 : vector<16xf32> to vector<1x16xf32>
      tpu.vector_store %arg8[%swap3A_220, %swap3A_221], %swap3A_224 {strides = array<i32>} : memref<128x128xf32, #tpu.memory_space<vmem>>, vector<1x16xf32>,
      %get3A_225 = arith.index_cast %scan3A_185 : i32 to index
      %get3A_226 = arith.constant 32 : index
      %get3A_227 = tpu.vector_load %arg7[%get3A_225, %get3A_226] {strides = array<i32>} : memref<256x128xf32, #tpu.memory_space<vmem>>, vector<1x16xf32>,
      %get3A_228 = vector.shape_cast %get3A_227 : vector<1x16xf32> to vector<16xf32>
      %add3A_229 = arith.constant 128 : i32
      %add3A_230 = arith.addi %add3A_229, %scan3A_185 : i32
      %get3A_231 = arith.index_cast %add3A_230 : i32 to index
      %get3A_232 = arith.constant 32 : index
      %get3A_233 = tpu.vector_load %arg7[%get3A_231, %get3A_232] {strides = array<i32>} : memref<256x128xf32, #tpu.memory_space<vmem>>, vector<1x16xf32>,
      %get3A_234 = vector.shape_cast %get3A_233 : vector<1x16xf32> to vector<16xf32>
      %add3A_235 = arith.addf %get3A_228, %get3A_234 : vector<16xf32>
      %get3A_236 = arith.index_cast %scan3A_185 : i32 to index
      %get3A_237 = arith.constant 32 : index
      %get3A_238 = tpu.vector_load %arg8[%get3A_236, %get3A_237] {strides = array<i32>} : memref<128x128xf32, #tpu.memory_space<vmem>>, vector<1x16xf32>,
      %get3A_239 = vector.shape_cast %get3A_238 : vector<1x16xf32> to vector<16xf32>
      %mul3A_240 = arith.mulf %add3A_235, %get3A_239 : vector<16xf32>
      %swap3A_241 = arith.index_cast %scan3A_185 : i32 to index
      %swap3A_242 = arith.constant 32 : index
      %swap3A_243 = tpu.vector_load %arg8[%swap3A_241, %swap3A_242] {strides = array<i32>} : memref<128x128xf32, #tpu.memory_space<vmem>>, vector<1x16xf32>,
      %swap3A_244 = vector.shape_cast %swap3A_243 : vector<1x16xf32> to vector<16xf32>
      %swap3A_245 = vector.shape_cast %mul3A_240 : vector<16xf32> to vector<1x16xf32>
      tpu.vector_store %arg8[%swap3A_241, %swap3A_242], %swap3A_245 {strides = array<i32>} : memref<128x128xf32, #tpu.memory_space<vmem>>, vector<1x16xf32>,
      %get3A_246 = arith.index_cast %scan3A_185 : i32 to index
      %get3A_247 = arith.constant 48 : index
      %get3A_248 = tpu.vector_load %arg7[%get3A_246, %get3A_247] {strides = array<i32>} : memref<256x128xf32, #tpu.memory_space<vmem>>, vector<1x16xf32>,
      %get3A_249 = vector.shape_cast %get3A_248 : vector<1x16xf32> to vector<16xf32>
      %add3A_250 = arith.constant 128 : i32
      %add3A_251 = arith.addi %add3A_250, %scan3A_185 : i32
      %get3A_252 = arith.index_cast %add3A_251 : i32 to index
      %get3A_253 = arith.constant 48 : index
      %get3A_254 = tpu.vector_load %arg7[%get3A_252, %get3A_253] {strides = array<i32>} : memref<256x128xf32, #tpu.memory_space<vmem>>, vector<1x16xf32>,
      %get3A_255 = vector.shape_cast %get3A_254 : vector<1x16xf32> to vector<16xf32>
      %add3A_256 = arith.addf %get3A_249, %get3A_255 : vector<16xf32>
      %get3A_257 = arith.index_cast %scan3A_185 : i32 to index
      %get3A_258 = arith.constant 48 : index
      %get3A_259 = tpu.vector_load %arg8[%get3A_257, %get3A_258] {strides = array<i32>} : memref<128x128xf32, #tpu.memory_space<vmem>>, vector<1x16xf32>,
      %get3A_260 = vector.shape_cast %get3A_259 : vector<1x16xf32> to vector<16xf32>
      %mul3A_261 = arith.mulf %add3A_256, %get3A_260 : vector<16xf32>
      %swap3A_262 = arith.index_cast %scan3A_185 : i32 to index
      %swap3A_263 = arith.constant 48 : index
      %swap3A_264 = tpu.vector_load %arg8[%swap3A_262, %swap3A_263] {strides = array<i32>} : memref<128x128xf32, #tpu.memory_space<vmem>>, vector<1x16xf32>,
      %swap3A_265 = vector.shape_cast %swap3A_264 : vector<1x16xf32> to vector<16xf32>
      %swap3A_266 = vector.shape_cast %mul3A_261 : vector<16xf32> to vector<1x16xf32>
      tpu.vector_store %arg8[%swap3A_262, %swap3A_263], %swap3A_266 {strides = array<i32>} : memref<128x128xf32, #tpu.memory_space<vmem>>, vector<1x16xf32>,
      %get3A_267 = arith.index_cast %scan3A_185 : i32 to index
      %get3A_268 = arith.constant 64 : index
      %get3A_269 = tpu.vector_load %arg7[%get3A_267, %get3A_268] {strides = array<i32>} : memref<256x128xf32, #tpu.memory_space<vmem>>, vector<1x16xf32>,
      %get3A_270 = vector.shape_cast %get3A_269 : vector<1x16xf32> to vector<16xf32>
      %add3A_271 = arith.constant 128 : i32
      %add3A_272 = arith.addi %add3A_271, %scan3A_185 : i32
      %get3A_273 = arith.index_cast %add3A_272 : i32 to index
      %get3A_274 = arith.constant 64 : index
      %get3A_275 = tpu.vector_load %arg7[%get3A_273, %get3A_274] {strides = array<i32>} : memref<256x128xf32, #tpu.memory_space<vmem>>, vector<1x16xf32>,
      %get3A_276 = vector.shape_cast %get3A_275 : vector<1x16xf32> to vector<16xf32>
      %add3A_277 = arith.addf %get3A_270, %get3A_276 : vector<16xf32>
      %get3A_278 = arith.index_cast %scan3A_185 : i32 to index
      %get3A_279 = arith.constant 64 : index
      %get3A_280 = tpu.vector_load %arg8[%get3A_278, %get3A_279] {strides = array<i32>} : memref<128x128xf32, #tpu.memory_space<vmem>>, vector<1x16xf32>,
      %get3A_281 = vector.shape_cast %get3A_280 : vector<1x16xf32> to vector<16xf32>
      %mul3A_282 = arith.mulf %add3A_277, %get3A_281 : vector<16xf32>
      %swap3A_283 = arith.index_cast %scan3A_185 : i32 to index
      %swap3A_284 = arith.constant 64 : index
      %swap3A_285 = tpu.vector_load %arg8[%swap3A_283, %swap3A_284] {strides = array<i32>} : memref<128x128xf32, #tpu.memory_space<vmem>>, vector<1x16xf32>,
      %swap3A_286 = vector.shape_cast %swap3A_285 : vector<1x16xf32> to vector<16xf32>
      %swap3A_287 = vector.shape_cast %mul3A_282 : vector<16xf32> to vector<1x16xf32>
      tpu.vector_store %arg8[%swap3A_283, %swap3A_284], %swap3A_287 {strides = array<i32>} : memref<128x128xf32, #tpu.memory_space<vmem>>, vector<1x16xf32>,
      %get3A_288 = arith.index_cast %scan3A_185 : i32 to index
      %get3A_289 = arith.constant 80 : index
      %get3A_290 = tpu.vector_load %arg7[%get3A_288, %get3A_289] {strides = array<i32>} : memref<256x128xf32, #tpu.memory_space<vmem>>, vector<1x16xf32>,
      %get3A_291 = vector.shape_cast %get3A_290 : vector<1x16xf32> to vector<16xf32>
      %add3A_292 = arith.constant 128 : i32
      %add3A_293 = arith.addi %add3A_292, %scan3A_185 : i32
      %get3A_294 = arith.index_cast %add3A_293 : i32 to index
      %get3A_295 = arith.constant 80 : index
      %get3A_296 = tpu.vector_load %arg7[%get3A_294, %get3A_295] {strides = array<i32>} : memref<256x128xf32, #tpu.memory_space<vmem>>, vector<1x16xf32>,
      %get3A_297 = vector.shape_cast %get3A_296 : vector<1x16xf32> to vector<16xf32>
      %add3A_298 = arith.addf %get3A_291, %get3A_297 : vector<16xf32>
      %get3A_299 = arith.index_cast %scan3A_185 : i32 to index
      %get3A_300 = arith.constant 80 : index
      %get3A_301 = tpu.vector_load %arg8[%get3A_299, %get3A_300] {strides = array<i32>} : memref<128x128xf32, #tpu.memory_space<vmem>>, vector<1x16xf32>,
      %get3A_302 = vector.shape_cast %get3A_301 : vector<1x16xf32> to vector<16xf32>
      %mul3A_303 = arith.mulf %add3A_298, %get3A_302 : vector<16xf32>
      %swap3A_304 = arith.index_cast %scan3A_185 : i32 to index
      %swap3A_305 = arith.constant 80 : index
      %swap3A_306 = tpu.vector_load %arg8[%swap3A_304, %swap3A_305] {strides = array<i32>} : memref<128x128xf32, #tpu.memory_space<vmem>>, vector<1x16xf32>,
      %swap3A_307 = vector.shape_cast %swap3A_306 : vector<1x16xf32> to vector<16xf32>
      %swap3A_308 = vector.shape_cast %mul3A_303 : vector<16xf32> to vector<1x16xf32>
      tpu.vector_store %arg8[%swap3A_304, %swap3A_305], %swap3A_308 {strides = array<i32>} : memref<128x128xf32, #tpu.memory_space<vmem>>, vector<1x16xf32>,
      %get3A_309 = arith.index_cast %scan3A_185 : i32 to index
      %get3A_310 = arith.constant 96 : index
      %get3A_311 = tpu.vector_load %arg7[%get3A_309, %get3A_310] {strides = array<i32>} : memref<256x128xf32, #tpu.memory_space<vmem>>, vector<1x16xf32>,
      %get3A_312 = vector.shape_cast %get3A_311 : vector<1x16xf32> to vector<16xf32>
      %add3A_313 = arith.constant 128 : i32
      %add3A_314 = arith.addi %add3A_313, %scan3A_185 : i32
      %get3A_315 = arith.index_cast %add3A_314 : i32 to index
      %get3A_316 = arith.constant 96 : index
      %get3A_317 = tpu.vector_load %arg7[%get3A_315, %get3A_316] {strides = array<i32>} : memref<256x128xf32, #tpu.memory_space<vmem>>, vector<1x16xf32>,
      %get3A_318 = vector.shape_cast %get3A_317 : vector<1x16xf32> to vector<16xf32>
      %add3A_319 = arith.addf %get3A_312, %get3A_318 : vector<16xf32>
      %get3A_320 = arith.index_cast %scan3A_185 : i32 to index
      %get3A_321 = arith.constant 96 : index
      %get3A_322 = tpu.vector_load %arg8[%get3A_320, %get3A_321] {strides = array<i32>} : memref<128x128xf32, #tpu.memory_space<vmem>>, vector<1x16xf32>,
      %get3A_323 = vector.shape_cast %get3A_322 : vector<1x16xf32> to vector<16xf32>
      %mul3A_324 = arith.mulf %add3A_319, %get3A_323 : vector<16xf32>
      %swap3A_325 = arith.index_cast %scan3A_185 : i32 to index
      %swap3A_326 = arith.constant 96 : index
      %swap3A_327 = tpu.vector_load %arg8[%swap3A_325, %swap3A_326] {strides = array<i32>} : memref<128x128xf32, #tpu.memory_space<vmem>>, vector<1x16xf32>,
      %swap3A_328 = vector.shape_cast %swap3A_327 : vector<1x16xf32> to vector<16xf32>
      %swap3A_329 = vector.shape_cast %mul3A_324 : vector<16xf32> to vector<1x16xf32>
      tpu.vector_store %arg8[%swap3A_325, %swap3A_326], %swap3A_329 {strides = array<i32>} : memref<128x128xf32, #tpu.memory_space<vmem>>, vector<1x16xf32>,
      %get3A_330 = arith.index_cast %scan3A_185 : i32 to index
      %get3A_331 = arith.constant 112 : index
      %get3A_332 = tpu.vector_load %arg7[%get3A_330, %get3A_331] {strides = array<i32>} : memref<256x128xf32, #tpu.memory_space<vmem>>, vector<1x16xf32>,
      %get3A_333 = vector.shape_cast %get3A_332 : vector<1x16xf32> to vector<16xf32>
      %add3A_334 = arith.constant 128 : i32
      %add3A_335 = arith.addi %add3A_334, %scan3A_185 : i32
      %get3A_336 = arith.index_cast %add3A_335 : i32 to index
      %get3A_337 = arith.constant 112 : index
      %get3A_338 = tpu.vector_load %arg7[%get3A_336, %get3A_337] {strides = array<i32>} : memref<256x128xf32, #tpu.memory_space<vmem>>, vector<1x16xf32>,
      %get3A_339 = vector.shape_cast %get3A_338 : vector<1x16xf32> to vector<16xf32>
      %add3A_340 = arith.addf %get3A_333, %get3A_339 : vector<16xf32>
      %get3A_341 = arith.index_cast %scan3A_185 : i32 to index
      %get3A_342 = arith.constant 112 : index
      %get3A_343 = tpu.vector_load %arg8[%get3A_341, %get3A_342] {strides = array<i32>} : memref<128x128xf32, #tpu.memory_space<vmem>>, vector<1x16xf32>,
      %get3A_344 = vector.shape_cast %get3A_343 : vector<1x16xf32> to vector<16xf32>
      %mul3A_345 = arith.mulf %add3A_340, %get3A_344 : vector<16xf32>
      %swap3A_346 = arith.index_cast %scan3A_185 : i32 to index
      %swap3A_347 = arith.constant 112 : index
      %swap3A_348 = tpu.vector_load %arg8[%swap3A_346, %swap3A_347] {strides = array<i32>} : memref<128x128xf32, #tpu.memory_space<vmem>>, vector<1x16xf32>,
      %swap3A_349 = vector.shape_cast %swap3A_348 : vector<1x16xf32> to vector<16xf32>
      %swap3A_350 = vector.shape_cast %mul3A_345 : vector<16xf32> to vector<1x16xf32>
      tpu.vector_store %arg8[%swap3A_346, %swap3A_347], %swap3A_350 {strides = array<i32>} : memref<128x128xf32, #tpu.memory_space<vmem>>, vector<1x16xf32>,
    }
    %scan3A_158 = arith.constant 64 : i32
    %dma_wait3A_159 = arith.constant 0 : i32
    %dma_wait3A_160 = arith.constant 64 : i32
    %dma_wait3A_161 = arith.constant 0 : i32
    %dma_wait3A_162 = tpu.memref_slice %arg7[%dma_wait3A_160, %dma_wait3A_161] : memref<256x128xf32, #tpu.memory_space<vmem>> -> memref<64x128xf32, #tpu.memory_space<vmem>>
    %dma_wait3A_163 = arith.constant 64 : i32
    %dma_wait3A_164 = tpu.memref_slice %arg9[%dma_wait3A_159, %dma_wait3A_163] : memref<2x128xi32, #tpu.memory_space<vmem>> -> memref<1x64xi32, #tpu.memory_space<vmem>>
    %dma_wait3A_165 = tpu.memref_squeeze %dma_wait3A_164 : memref<1x64xi32, #tpu.memory_space<vmem>> -> memref<64xi32, #tpu.memory_space<vmem>>
    %dma_wait3A_166 = arith.constant 0 : i32
    %dma_wait3A_167 = arith.constant 0 : i32
    %dma_wait3A_168 = tpu.memref_slice %arg11[%dma_wait3A_166, %dma_wait3A_167] : memref<64x128xf32, #tpu.memory_space<vmem_shared>> -> memref<64x128xf32, #tpu.memory_space<vmem_shared>>
    tpu.wait_indirect_dma semaphore(%arg15 : memref<!tpu.dma_semaphore, #tpu.memory_space<semaphore_mem>>) src(%dma_wait3A_168 : memref<64x128xf32, #tpu.memory_space<vmem_shared>>) dst(%dma_wait3A_162 : memref<64x128xf32, #tpu.memory_space<vmem>>)
    %dma_wait3A_169 = arith.constant 1 : i32
    %dma_wait3A_170 = arith.constant 192 : i32
    %dma_wait3A_171 = arith.constant 0 : i32
    %dma_wait3A_172 = tpu.memref_slice %arg7[%dma_wait3A_170, %dma_wait3A_171] : memref<256x128xf32, #tpu.memory_space<vmem>> -> memref<64x128xf32, #tpu.memory_space<vmem>>
    %dma_wait3A_173 = arith.constant 64 : i32
    %dma_wait3A_174 = tpu.memref_slice %arg9[%dma_wait3A_169, %dma_wait3A_173] : memref<2x128xi32, #tpu.memory_space<vmem>> -> memref<1x64xi32, #tpu.memory_space<vmem>>
    %dma_wait3A_175 = tpu.memref_squeeze %dma_wait3A_174 : memref<1x64xi32, #tpu.memory_space<vmem>> -> memref<64xi32, #tpu.memory_space<vmem>>
    %dma_wait3A_176 = arith.constant 0 : i32
    %dma_wait3A_177 = arith.constant 0 : i32
    %dma_wait3A_178 = tpu.memref_slice %arg11[%dma_wait3A_176, %dma_wait3A_177] : memref<64x128xf32, #tpu.memory_space<vmem_shared>> -> memref<64x128xf32, #tpu.memory_space<vmem_shared>>
    tpu.wait_indirect_dma semaphore(%arg15 : memref<!tpu.dma_semaphore, #tpu.memory_space<semaphore_mem>>) src(%dma_wait3A_178 : memref<64x128xf32, #tpu.memory_space<vmem_shared>>) dst(%dma_wait3A_172 : memref<64x128xf32, #tpu.memory_space<vmem>>)
    %scan3A_179 = arith.constant 0 : i32
    %scan3A_180 = arith.constant 64 : i32
    %scan3A_181 = arith.constant 64 : i32
    %scan3A_182 = arith.addi %scan3A_180, %scan3A_181 : i32
    %scan3A_183 = arith.constant 1 : i32
    scf.for %scan3A_185 = %scan3A_180 to %scan3A_182 step %scan3A_183  : i32 {
      %get3A = arith.index_cast %scan3A_185 : i32 to index
      %get3A_186 = arith.constant 0 : index
      %get3A_187 = tpu.vector_load %arg7[%get3A, %get3A_186] {strides = array<i32>} : memref<256x128xf32, #tpu.memory_space<vmem>>, vector<1x16xf32>,
      %get3A_188 = vector.shape_cast %get3A_187 : vector<1x16xf32> to vector<16xf32>
      %add3A = arith.constant 128 : i32
      %add3A_189 = arith.addi %add3A, %scan3A_185 : i32
      %get3A_190 = arith.index_cast %add3A_189 : i32 to index
      %get3A_191 = arith.constant 0 : index
      %get3A_192 = tpu.vector_load %arg7[%get3A_190, %get3A_191] {strides = array<i32>} : memref<256x128xf32, #tpu.memory_space<vmem>>, vector<1x16xf32>,
      %get3A_193 = vector.shape_cast %get3A_192 : vector<1x16xf32> to vector<16xf32>
      %add3A_194 = arith.addf %get3A_188, %get3A_193 : vector<16xf32>
      %get3A_195 = arith.index_cast %scan3A_185 : i32 to index
      %get3A_196 = arith.constant 0 : index
      %get3A_197 = tpu.vector_load %arg8[%get3A_195, %get3A_196] {strides = array<i32>} : memref<128x128xf32, #tpu.memory_space<vmem>>, vector<1x16xf32>,
      %get3A_198 = vector.shape_cast %get3A_197 : vector<1x16xf32> to vector<16xf32>
      %mul3A_199 = arith.mulf %add3A_194, %get3A_198 : vector<16xf32>
      %swap3A = arith.index_cast %scan3A_185 : i32 to index
      %swap3A_200 = arith.constant 0 : index
      %swap3A_201 = tpu.vector_load %arg8[%swap3A, %swap3A_200] {strides = array<i32>} : memref<128x128xf32, #tpu.memory_space<vmem>>, vector<1x16xf32>,
      %swap3A_202 = vector.shape_cast %swap3A_201 : vector<1x16xf32> to vector<16xf32>
      %swap3A_203 = vector.shape_cast %mul3A_199 : vector<16xf32> to vector<1x16xf32>
      tpu.vector_store %arg8[%swap3A, %swap3A_200], %swap3A_203 {strides = array<i32>} : memref<128x128xf32, #tpu.memory_space<vmem>>, vector<1x16xf32>,
      %get3A_204 = arith.index_cast %scan3A_185 : i32 to index
      %get3A_205 = arith.constant 16 : index
      %get3A_206 = tpu.vector_load %arg7[%get3A_204, %get3A_205] {strides = array<i32>} : memref<256x128xf32, #tpu.memory_space<vmem>>, vector<1x16xf32>,
      %get3A_207 = vector.shape_cast %get3A_206 : vector<1x16xf32> to vector<16xf32>
      %add3A_208 = arith.constant 128 : i32
      %add3A_209 = arith.addi %add3A_208, %scan3A_185 : i32
      %get3A_210 = arith.index_cast %add3A_209 : i32 to index
      %get3A_211 = arith.constant 16 : index
      %get3A_212 = tpu.vector_load %arg7[%get3A_210, %get3A_211] {strides = array<i32>} : memref<256x128xf32, #tpu.memory_space<vmem>>, vector<1x16xf32>,
      %get3A_213 = vector.shape_cast %get3A_212 : vector<1x16xf32> to vector<16xf32>
      %add3A_214 = arith.addf %get3A_207, %get3A_213 : vector<16xf32>
      %get3A_215 = arith.index_cast %scan3A_185 : i32 to index
      %get3A_216 = arith.constant 16 : index
      %get3A_217 = tpu.vector_load %arg8[%get3A_215, %get3A_216] {strides = array<i32>} : memref<128x128xf32, #tpu.memory_space<vmem>>, vector<1x16xf32>,
      %get3A_218 = vector.shape_cast %get3A_217 : vector<1x16xf32> to vector<16xf32>
      %mul3A_219 = arith.mulf %add3A_214, %get3A_218 : vector<16xf32>
      %swap3A_220 = arith.index_cast %scan3A_185 : i32 to index
      %swap3A_221 = arith.constant 16 : index
      %swap3A_222 = tpu.vector_load %arg8[%swap3A_220, %swap3A_221] {strides = array<i32>} : memref<128x128xf32, #tpu.memory_space<vmem>>, vector<1x16xf32>,
      %swap3A_223 = vector.shape_cast %swap3A_222 : vector<1x16xf32> to vector<16xf32>
      %swap3A_224 = vector.shape_cast %mul3A_219 : vector<16xf32> to vector<1x16xf32>
      tpu.vector_store %arg8[%swap3A_220, %swap3A_221], %swap3A_224 {strides = array<i32>} : memref<128x128xf32, #tpu.memory_space<vmem>>, vector<1x16xf32>,
      %get3A_225 = arith.index_cast %scan3A_185 : i32 to index
      %get3A_226 = arith.constant 32 : index
      %get3A_227 = tpu.vector_load %arg7[%get3A_225, %get3A_226] {strides = array<i32>} : memref<256x128xf32, #tpu.memory_space<vmem>>, vector<1x16xf32>,
      %get3A_228 = vector.shape_cast %get3A_227 : vector<1x16xf32> to vector<16xf32>
      %add3A_229 = arith.constant 128 : i32
      %add3A_230 = arith.addi %add3A_229, %scan3A_185 : i32
      %get3A_231 = arith.index_cast %add3A_230 : i32 to index
      %get3A_232 = arith.constant 32 : index
      %get3A_233 = tpu.vector_load %arg7[%get3A_231, %get3A_232] {strides = array<i32>} : memref<256x128xf32, #tpu.memory_space<vmem>>, vector<1x16xf32>,
      %get3A_234 = vector.shape_cast %get3A_233 : vector<1x16xf32> to vector<16xf32>
      %add3A_235 = arith.addf %get3A_228, %get3A_234 : vector<16xf32>
      %get3A_236 = arith.index_cast %scan3A_185 : i32 to index
      %get3A_237 = arith.constant 32 : index
      %get3A_238 = tpu.vector_load %arg8[%get3A_236, %get3A_237] {strides = array<i32>} : memref<128x128xf32, #tpu.memory_space<vmem>>, vector<1x16xf32>,
      %get3A_239 = vector.shape_cast %get3A_238 : vector<1x16xf32> to vector<16xf32>
      %mul3A_240 = arith.mulf %add3A_235, %get3A_239 : vector<16xf32>
      %swap3A_241 = arith.index_cast %scan3A_185 : i32 to index
      %swap3A_242 = arith.constant 32 : index
      %swap3A_243 = tpu.vector_load %arg8[%swap3A_241, %swap3A_242] {strides = array<i32>} : memref<128x128xf32, #tpu.memory_space<vmem>>, vector<1x16xf32>,
      %swap3A_244 = vector.shape_cast %swap3A_243 : vector<1x16xf32> to vector<16xf32>
      %swap3A_245 = vector.shape_cast %mul3A_240 : vector<16xf32> to vector<1x16xf32>
      tpu.vector_store %arg8[%swap3A_241, %swap3A_242], %swap3A_245 {strides = array<i32>} : memref<128x128xf32, #tpu.memory_space<vmem>>, vector<1x16xf32>,
      %get3A_246 = arith.index_cast %scan3A_185 : i32 to index
      %get3A_247 = arith.constant 48 : index
      %get3A_248 = tpu.vector_load %arg7[%get3A_246, %get3A_247] {strides = array<i32>} : memref<256x128xf32, #tpu.memory_space<vmem>>, vector<1x16xf32>,
      %get3A_249 = vector.shape_cast %get3A_248 : vector<1x16xf32> to vector<16xf32>
      %add3A_250 = arith.constant 128 : i32
      %add3A_251 = arith.addi %add3A_250, %scan3A_185 : i32
      %get3A_252 = arith.index_cast %add3A_251 : i32 to index
      %get3A_253 = arith.constant 48 : index
      %get3A_254 = tpu.vector_load %arg7[%get3A_252, %get3A_253] {strides = array<i32>} : memref<256x128xf32, #tpu.memory_space<vmem>>, vector<1x16xf32>,
      %get3A_255 = vector.shape_cast %get3A_254 : vector<1x16xf32> to vector<16xf32>
      %add3A_256 = arith.addf %get3A_249, %get3A_255 : vector<16xf32>
      %get3A_257 = arith.index_cast %scan3A_185 : i32 to index
      %get3A_258 = arith.constant 48 : index
      %get3A_259 = tpu.vector_load %arg8[%get3A_257, %get3A_258] {strides = array<i32>} : memref<128x128xf32, #tpu.memory_space<vmem>>, vector<1x16xf32>,
      %get3A_260 = vector.shape_cast %get3A_259 : vector<1x16xf32> to vector<16xf32>
      %mul3A_261 = arith.mulf %add3A_256, %get3A_260 : vector<16xf32>
      %swap3A_262 = arith.index_cast %scan3A_185 : i32 to index
      %swap3A_263 = arith.constant 48 : index
      %swap3A_264 = tpu.vector_load %arg8[%swap3A_262, %swap3A_263] {strides = array<i32>} : memref<128x128xf32, #tpu.memory_space<vmem>>, vector<1x16xf32>,
      %swap3A_265 = vector.shape_cast %swap3A_264 : vector<1x16xf32> to vector<16xf32>
      %swap3A_266 = vector.shape_cast %mul3A_261 : vector<16xf32> to vector<1x16xf32>
      tpu.vector_store %arg8[%swap3A_262, %swap3A_263], %swap3A_266 {strides = array<i32>} : memref<128x128xf32, #tpu.memory_space<vmem>>, vector<1x16xf32>,
      %get3A_267 = arith.index_cast %scan3A_185 : i32 to index
      %get3A_268 = arith.constant 64 : index
      %get3A_269 = tpu.vector_load %arg7[%get3A_267, %get3A_268] {strides = array<i32>} : memref<256x128xf32, #tpu.memory_space<vmem>>, vector<1x16xf32>,
      %get3A_270 = vector.shape_cast %get3A_269 : vector<1x16xf32> to vector<16xf32>
      %add3A_271 = arith.constant 128 : i32
      %add3A_272 = arith.addi %add3A_271, %scan3A_185 : i32
      %get3A_273 = arith.index_cast %add3A_272 : i32 to index
      %get3A_274 = arith.constant 64 : index
      %get3A_275 = tpu.vector_load %arg7[%get3A_273, %get3A_274] {strides = array<i32>} : memref<256x128xf32, #tpu.memory_space<vmem>>, vector<1x16xf32>,
      %get3A_276 = vector.shape_cast %get3A_275 : vector<1x16xf32> to vector<16xf32>
      %add3A_277 = arith.addf %get3A_270, %get3A_276 : vector<16xf32>
      %get3A_278 = arith.index_cast %scan3A_185 : i32 to index
      %get3A_279 = arith.constant 64 : index
      %get3A_280 = tpu.vector_load %arg8[%get3A_278, %get3A_279] {strides = array<i32>} : memref<128x128xf32, #tpu.memory_space<vmem>>, vector<1x16xf32>,
      %get3A_281 = vector.shape_cast %get3A_280 : vector<1x16xf32> to vector<16xf32>
      %mul3A_282 = arith.mulf %add3A_277, %get3A_281 : vector<16xf32>
      %swap3A_283 = arith.index_cast %scan3A_185 : i32 to index
      %swap3A_284 = arith.constant 64 : index
      %swap3A_285 = tpu.vector_load %arg8[%swap3A_283, %swap3A_284] {strides = array<i32>} : memref<128x128xf32, #tpu.memory_space<vmem>>, vector<1x16xf32>,
      %swap3A_286 = vector.shape_cast %swap3A_285 : vector<1x16xf32> to vector<16xf32>
      %swap3A_287 = vector.shape_cast %mul3A_282 : vector<16xf32> to vector<1x16xf32>
      tpu.vector_store %arg8[%swap3A_283, %swap3A_284], %swap3A_287 {strides = array<i32>} : memref<128x128xf32, #tpu.memory_space<vmem>>, vector<1x16xf32>,
      %get3A_288 = arith.index_cast %scan3A_185 : i32 to index
      %get3A_289 = arith.constant 80 : index
      %get3A_290 = tpu.vector_load %arg7[%get3A_288, %get3A_289] {strides = array<i32>} : memref<256x128xf32, #tpu.memory_space<vmem>>, vector<1x16xf32>,
      %get3A_291 = vector.shape_cast %get3A_290 : vector<1x16xf32> to vector<16xf32>
      %add3A_292 = arith.constant 128 : i32
      %add3A_293 = arith.addi %add3A_292, %scan3A_185 : i32
      %get3A_294 = arith.index_cast %add3A_293 : i32 to index
      %get3A_295 = arith.constant 80 : index
      %get3A_296 = tpu.vector_load %arg7[%get3A_294, %get3A_295] {strides = array<i32>} : memref<256x128xf32, #tpu.memory_space<vmem>>, vector<1x16xf32>,
      %get3A_297 = vector.shape_cast %get3A_296 : vector<1x16xf32> to vector<16xf32>
      %add3A_298 = arith.addf %get3A_291, %get3A_297 : vector<16xf32>
      %get3A_299 = arith.index_cast %scan3A_185 : i32 to index
      %get3A_300 = arith.constant 80 : index
      %get3A_301 = tpu.vector_load %arg8[%get3A_299, %get3A_300] {strides = array<i32>} : memref<128x128xf32, #tpu.memory_space<vmem>>, vector<1x16xf32>,
      %get3A_302 = vector.shape_cast %get3A_301 : vector<1x16xf32> to vector<16xf32>
      %mul3A_303 = arith.mulf %add3A_298, %get3A_302 : vector<16xf32>
      %swap3A_304 = arith.index_cast %scan3A_185 : i32 to index
      %swap3A_305 = arith.constant 80 : index
      %swap3A_306 = tpu.vector_load %arg8[%swap3A_304, %swap3A_305] {strides = array<i32>} : memref<128x128xf32, #tpu.memory_space<vmem>>, vector<1x16xf32>,
      %swap3A_307 = vector.shape_cast %swap3A_306 : vector<1x16xf32> to vector<16xf32>
      %swap3A_308 = vector.shape_cast %mul3A_303 : vector<16xf32> to vector<1x16xf32>
      tpu.vector_store %arg8[%swap3A_304, %swap3A_305], %swap3A_308 {strides = array<i32>} : memref<128x128xf32, #tpu.memory_space<vmem>>, vector<1x16xf32>,
      %get3A_309 = arith.index_cast %scan3A_185 : i32 to index
      %get3A_310 = arith.constant 96 : index
      %get3A_311 = tpu.vector_load %arg7[%get3A_309, %get3A_310] {strides = array<i32>} : memref<256x128xf32, #tpu.memory_space<vmem>>, vector<1x16xf32>,
      %get3A_312 = vector.shape_cast %get3A_311 : vector<1x16xf32> to vector<16xf32>
      %add3A_313 = arith.constant 128 : i32
      %add3A_314 = arith.addi %add3A_313, %scan3A_185 : i32
      %get3A_315 = arith.index_cast %add3A_314 : i32 to index
      %get3A_316 = arith.constant 96 : index
      %get3A_317 = tpu.vector_load %arg7[%get3A_315, %get3A_316] {strides = array<i32>} : memref<256x128xf32, #tpu.memory_space<vmem>>, vector<1x16xf32>,
      %get3A_318 = vector.shape_cast %get3A_317 : vector<1x16xf32> to vector<16xf32>
      %add3A_319 = arith.addf %get3A_312, %get3A_318 : vector<16xf32>
      %get3A_320 = arith.index_cast %scan3A_185 : i32 to index
      %get3A_321 = arith.constant 96 : index
      %get3A_322 = tpu.vector_load %arg8[%get3A_320, %get3A_321] {strides = array<i32>} : memref<128x128xf32, #tpu.memory_space<vmem>>, vector<1x16xf32>,
      %get3A_323 = vector.shape_cast %get3A_322 : vector<1x16xf32> to vector<16xf32>
      %mul3A_324 = arith.mulf %add3A_319, %get3A_323 : vector<16xf32>
      %swap3A_325 = arith.index_cast %scan3A_185 : i32 to index
      %swap3A_326 = arith.constant 96 : index
      %swap3A_327 = tpu.vector_load %arg8[%swap3A_325, %swap3A_326] {strides = array<i32>} : memref<128x128xf32, #tpu.memory_space<vmem>>, vector<1x16xf32>,
      %swap3A_328 = vector.shape_cast %swap3A_327 : vector<1x16xf32> to vector<16xf32>
      %swap3A_329 = vector.shape_cast %mul3A_324 : vector<16xf32> to vector<1x16xf32>
      tpu.vector_store %arg8[%swap3A_325, %swap3A_326], %swap3A_329 {strides = array<i32>} : memref<128x128xf32, #tpu.memory_space<vmem>>, vector<1x16xf32>,
      %get3A_330 = arith.index_cast %scan3A_185 : i32 to index
      %get3A_331 = arith.constant 112 : index
      %get3A_332 = tpu.vector_load %arg7[%get3A_330, %get3A_331] {strides = array<i32>} : memref<256x128xf32, #tpu.memory_space<vmem>>, vector<1x16xf32>,
      %get3A_333 = vector.shape_cast %get3A_332 : vector<1x16xf32> to vector<16xf32>
      %add3A_334 = arith.constant 128 : i32
      %add3A_335 = arith.addi %add3A_334, %scan3A_185 : i32
      %get3A_336 = arith.index_cast %add3A_335 : i32 to index
      %get3A_337 = arith.constant 112 : index
      %get3A_338 = tpu.vector_load %arg7[%get3A_336, %get3A_337] {strides = array<i32>} : memref<256x128xf32, #tpu.memory_space<vmem>>, vector<1x16xf32>,
      %get3A_339 = vector.shape_cast %get3A_338 : vector<1x16xf32> to vector<16xf32>
      %add3A_340 = arith.addf %get3A_333, %get3A_339 : vector<16xf32>
      %get3A_341 = arith.index_cast %scan3A_185 : i32 to index
      %get3A_342 = arith.constant 112 : index
      %get3A_343 = tpu.vector_load %arg8[%get3A_341, %get3A_342] {strides = array<i32>} : memref<128x128xf32, #tpu.memory_space<vmem>>, vector<1x16xf32>,
      %get3A_344 = vector.shape_cast %get3A_343 : vector<1x16xf32> to vector<16xf32>
      %mul3A_345 = arith.mulf %add3A_340, %get3A_344 : vector<16xf32>
      %swap3A_346 = arith.index_cast %scan3A_185 : i32 to index
      %swap3A_347 = arith.constant 112 : index
      %swap3A_348 = tpu.vector_load %arg8[%swap3A_346, %swap3A_347] {strides = array<i32>} : memref<128x128xf32, #tpu.memory_space<vmem>>, vector<1x16xf32>,
      %swap3A_349 = vector.shape_cast %swap3A_348 : vector<1x16xf32> to vector<16xf32>
      %swap3A_350 = vector.shape_cast %mul3A_345 : vector<16xf32> to vector<1x16xf32>
      tpu.vector_store %arg8[%swap3A_346, %swap3A_347], %swap3A_350 {strides = array<i32>} : memref<128x128xf32, #tpu.memory_space<vmem>>, vector<1x16xf32>,
    }
    %scan3A_184 = arith.constant 64 : i32
    "tpu.region"() ({
      %run_scoped3A = tpu.sem_alloc : memref<!tpu.dma_semaphore, #tpu.memory_space<semaphore_mem>>
      %dma_start3A_185 = tpu.memref_slice %arg6[%mul3A_0, %mul3A_2] : memref<2048x256xf32, #tpu.memory_space<hbm>> -> memref<128x128xf32, #tpu.memory_space<hbm>>
      %dma_start3A_186 = tpu.memref_slice %arg6[%mul3A_0, %mul3A_2] : memref<2048x256xf32, #tpu.memory_space<hbm>> -> memref<128x128xf32, #tpu.memory_space<hbm>>
      tpu.enqueue_dma source(%arg8 : memref<128x128xf32, #tpu.memory_space<vmem>>) target(%dma_start3A_186 : memref<128x128xf32, #tpu.memory_space<hbm>>) target_semaphore(%run_scoped3A : memref<!tpu.dma_semaphore, #tpu.memory_space<semaphore_mem>>)
      %dma_wait3A_187 = tpu.memref_slice %arg6[%mul3A_0, %mul3A_2] : memref<2048x256xf32, #tpu.memory_space<hbm>> -> memref<128x128xf32, #tpu.memory_space<hbm>>
      %dma_wait3A_188 = tpu.memref_slice %arg6[%mul3A_0, %mul3A_2] : memref<2048x256xf32, #tpu.memory_space<hbm>> -> memref<128x128xf32, #tpu.memory_space<hbm>>
      tpu.wait_dma2 semaphore(%run_scoped3A : memref<!tpu.dma_semaphore, #tpu.memory_space<semaphore_mem>>) src(%arg8 : memref<128x128xf32, #tpu.memory_space<vmem>>) dst(%dma_wait3A_188 : memref<128x128xf32, #tpu.memory_space<hbm>>)
      tpu.yield
    }) : () -> ()
    return
  }
}

module attributes {stable_mosaic.version = 14 : i64} {
  func.func @_tc_dense_body(%arg0: memref<2048x64xf32, #tpu.memory_space<vmem>>, %arg1: memref<2048x64xf32, #tpu.memory_space<vmem>>, %arg2: memref<2048x256xf32, #tpu.memory_space<vmem>>, %arg3: memref<64x64x256xf32, #tpu.memory_space<vmem>>, %arg4: memref<2x2048x256xf32, #tpu.memory_space<vmem>>, %arg5: memref<64x256xf32, #tpu.memory_space<vmem>>) attributes {dimension_semantics = [], scalar_prefetch = 0 : i64, scratch_operands = 0 : i64, tpu.core_type = #tpu.core_type<tc>} {
    %get3A = arith.constant 0 : index
    %get3A_0 = arith.constant 0 : index
    %get3A_1 = vector.load %arg2[%get3A, %get3A_0] : memref<2048x256xf32, #tpu.memory_space<vmem>>, vector<2048x256xf32>
    %get3A_2 = arith.constant 0 : index
    %get3A_3 = arith.constant 0 : index
    %get3A_4 = vector.load %arg0[%get3A_2, %get3A_3] : memref<2048x64xf32, #tpu.memory_space<vmem>>, vector<2048x64xf32>
    %reduce_sum3A = arith.constant dense<0.000000e+00> : vector<2048xf32>
    %reduce_sum3A_5 = vector.multi_reduction <add>, %get3A_4, %reduce_sum3A [1] : vector<2048x64xf32> to vector<2048xf32>
    %broadcast_in_dim3A = vector.shape_cast %reduce_sum3A_5 : vector<2048xf32> to vector<2048x1xf32>
    %mul3A = arith.constant 1.562500e-02 : f32
    %mul3A_6 = vector.broadcast %mul3A : f32 to vector<2048x1xf32>
    %mul3A_7 = arith.mulf %broadcast_in_dim3A, %mul3A_6 : vector<2048x1xf32>
    %get3A_8 = arith.constant 0 : index
    %get3A_9 = arith.constant 0 : index
    %get3A_10 = vector.load %arg1[%get3A_8, %get3A_9] : memref<2048x64xf32, #tpu.memory_space<vmem>>, vector<2048x64xf32>
    %reduce_sum3A_11 = arith.constant dense<0.000000e+00> : vector<2048xf32>
    %reduce_sum3A_12 = vector.multi_reduction <add>, %get3A_10, %reduce_sum3A_11 [1] : vector<2048x64xf32> to vector<2048xf32>
    %broadcast_in_dim3A_13 = vector.shape_cast %reduce_sum3A_12 : vector<2048xf32> to vector<2048x1xf32>
    %mul3A_14 = arith.constant 1.562500e-02 : f32
    %mul3A_15 = vector.broadcast %mul3A_14 : f32 to vector<2048x1xf32>
    %mul3A_16 = arith.mulf %broadcast_in_dim3A_13, %mul3A_15 : vector<2048x1xf32>
    %mul3A_17 = vector.broadcast %mul3A_7 : vector<2048x1xf32> to vector<2048x256xf32>
    %mul3A_18 = arith.mulf %mul3A_17, %get3A_1 : vector<2048x256xf32>
    %swap3A = arith.constant 0 : index
    %swap3A_19 = arith.constant 0 : index
    %swap3A_20 = arith.constant 0 : index
    %swap3A_21 = vector.load %arg4[%swap3A, %swap3A_19, %swap3A_20] : memref<2x2048x256xf32, #tpu.memory_space<vmem>>, vector<1x2048x256xf32>
    %swap3A_22 = vector.shape_cast %swap3A_21 : vector<1x2048x256xf32> to vector<2048x256xf32>
    %swap3A_23 = vector.shape_cast %mul3A_18 : vector<2048x256xf32> to vector<1x2048x256xf32>
    tpu.vector_store %arg4[%swap3A, %swap3A_19, %swap3A_20], %swap3A_23 {strides = array<i32>} : memref<2x2048x256xf32, #tpu.memory_space<vmem>>, vector<1x2048x256xf32>,
    %mul3A_24 = vector.broadcast %mul3A_16 : vector<2048x1xf32> to vector<2048x256xf32>
    %mul3A_25 = arith.mulf %mul3A_24, %get3A_1 : vector<2048x256xf32>
    %swap3A_26 = arith.constant 1 : index
    %swap3A_27 = arith.constant 0 : index
    %swap3A_28 = arith.constant 0 : index
    %swap3A_29 = vector.load %arg4[%swap3A_26, %swap3A_27, %swap3A_28] : memref<2x2048x256xf32, #tpu.memory_space<vmem>>, vector<1x2048x256xf32>
    %swap3A_30 = vector.shape_cast %swap3A_29 : vector<1x2048x256xf32> to vector<2048x256xf32>
    %swap3A_31 = vector.shape_cast %mul3A_25 : vector<2048x256xf32> to vector<1x2048x256xf32>
    tpu.vector_store %arg4[%swap3A_26, %swap3A_27, %swap3A_28], %swap3A_31 {strides = array<i32>} : memref<2x2048x256xf32, #tpu.memory_space<vmem>>, vector<1x2048x256xf32>,
    %get3A_32 = arith.constant 0 : index
    %get3A_33 = arith.constant 0 : index
    %get3A_34 = arith.constant 0 : index
    %get3A_35 = vector.load %arg3[%get3A_32, %get3A_33, %get3A_34] : memref<64x64x256xf32, #tpu.memory_space<vmem>>, vector<64x64x256xf32>
    %reduce_sum3A_36 = arith.constant dense<0.000000e+00> : vector<64x256xf32>
    %reduce_sum3A_37 = vector.multi_reduction <add>, %get3A_35, %reduce_sum3A_36 [1] : vector<64x64x256xf32> to vector<64x256xf32>
    %div3A = arith.constant 6.400000e+01 : f32
    %div3A_38 = vector.broadcast %div3A : f32 to vector<64x256xf32>
    %div3A_39 = arith.divf %reduce_sum3A_37, %div3A_38 : vector<64x256xf32>
    %swap3A_40 = arith.constant 0 : index
    %swap3A_41 = arith.constant 0 : index
    %swap3A_42 = vector.load %arg5[%swap3A_40, %swap3A_41] : memref<64x256xf32, #tpu.memory_space<vmem>>, vector<64x256xf32>
    tpu.vector_store %arg5[%swap3A_40, %swap3A_41], %div3A_39 {strides = array<i32>} : memref<64x256xf32, #tpu.memory_space<vmem>>, vector<64x256xf32>,
    return
  }
}

</mosaic_0001>

<sc_bundles>
// kernel: kernel.4.cloned.1.call-start
scs
__scs_entry_jumppad:
0x0: {  	(pc) =	sbr.rel $0x88, $3  }
0x1: {  	(tag) =	ssettag $0x0;
	lr =	simm.s32 $0x1  }
0x2: {  	[smem:$0x3F9C] =	sst lr;
	_ =	strace $0xD0000000  }
0x3: {  	_ = 	snop  }
0x4: {  	_ = 	snop  }
0x5: {  	_ = 	snop  }
0x6: {  	_ = 	snop  }
0x7: {  	_ = 	snop  }
__scs_overlays_trampoline_lowered:
0x8: {  	[smem:$0x3FAB] =	sst s0  }
0x9: {  	[smem:$0x3FAC] =	sst s1  }
0xa: {  	[smem:$0x3FAD] =	sst s2  }
0xb: {  	[smem:$0x3FAE] =	sst s3  }
0xc: {  	[smem:$0x3FAF] =	sst s4  }
0xd: {  	[smem:$0x3FB0] =	sst s5  }
0xe: {  	[smem:$0x3FB1] =	sst s6  }
0xf: {  	[smem:$0x3FB2] =	sst s7  }
0x10: {  	[smem:$0x3FB3] =	sst s8  }
0x11: {  	[smem:$0x3FB4] =	sst s9;
	s0 =	simm.s32 @!p0 $0x0  }
0x12: {  	s1 =	sld [smem:$0x3F9A];
	s0 =	simm.s32 @p0 $0x1  }
0x13: {  	[smem:$0x3FB5] =	sst s0;
	s0 =	simm.s32 @!p1 $0x0  }
0x14: {  	s2 =	sld [smem:$0x3F99];
	s0 =	simm.s32 @p1 $0x1  }
0x15: {  	[smem:$0x3FB6] =	sst s0;
	s0 =	simm.s32 @!p2 $0x0  }
0x16: {  	s3 =	sld [smem:$0x3FDB];
	s0 =	simm.s32 @p2 $0x1  }
0x17: {  	s4 =	simm.s32 $0x1BF5;
	[smem:$0x3FB8] =	sst s0  }
0x18: {  	s0 =	sld [smem:$0x3F9B];
	_ =	swait.ge [sflag:s4], $0x0  }
0x19: {  	s7 =	sld [smem:$0x3F9C]  }
0x1a: {  	s8 =	sadd.s32 $0xFFFFE003, lr  }
0x1b: {  	s9 =	sadd.s32 $0xFFFFFEF7, lr;
	s5 =	simm.s32 $0xFFFFFFFF;
	p2 =	slt.u32 s8, $0xFFFFF086  }
0x1c: {  	p1 =	slt.u32 s9, $0xF7A;
	s5 =	simm.s32 @!p2 $0x0  }
0x1d: {  	s5 =	simm.s32 @p1 $0x1;
	p0 =	seq.s32 s7, s2  }
0x1e: {  	s7 =	smul.u32 @!p0 $0xF7A, s2;
	p2 =	seq.s32 @!p0 s5, $0x0  }
0x1f: {  	s9 =	smul.u32 $0xF7A, s1;
	s8 =	simm.s32 @!p0 $0x1BF5;
	p2 =	por !p2, p0  }
0x20: {  	[sflag:s8] =	ssyncset.s32 @!p0 $0xFFFFF086;
	s6 =	sadd.s32 @!p0 s3, s7;
	s7 =	simm.s32 @!p0 $0x108  }
0x21: {  	s3 =	sadd.s32 s3, s9;
	s6 =	sadd.s32 @!p0 $0x88, s6;
	s7 =	simm.s32 @p2 $0x1082  }
0x22: {  	[simem:s7], [sflag:s8] =	dma.local @!p0 [hbm:s6], $0xF7A  }
0x23: {  	s9 =	sor.u32 $0xD0000000, s2;
	s6 =	simm.s32 $0x108;
	_ =	swait.ge @!p0 [sflag:s8], $0x0  }
0x24: {  	s3 =	sadd.s32 $0x88, s3;
	s6 =	simm.s32 @!p1 $0x1082;
	[sflag:s4] =	ssyncset.s32 $0xFFFFF086  }
0x25: {  	[simem:s6], [sflag:s4] =	dma.local [hbm:s3], $0xF7A  }
0x26: {  	[smem:$0x3F9C] =	sst s1;
	(tag) =	ssettag s2;
	_ =	strace s9  }
0x27: {  	s1 =	sld [smem:$0x3FAC]  }
0x28: {  	s2 =	sld [smem:$0x3FAD]  }
0x29: {  	s4 =	sld [smem:$0x3FAF]  }
0x2a: {  	p0 =	seq.s32 s5, $0x0;
	s5 =	sld [smem:$0x3FB0]  }
0x2b: {  	s6 =	sld [smem:$0x3FB1]  }
0x2c: {  	s7 =	sld [smem:$0x3FB2]  }
0x2d: {  	s3 =	simm.s32 $0x108;
	s8 =	sld [smem:$0x3FB3]  }
0x2e: {  	s3 =	simm.s32 @!p0 $0x1082;
	s9 =	sld [smem:$0x3FB4]  }
0x2f: {  	lr =	sadd.s32 s0, s3;
	s0 =	sld [smem:$0x3FAB]  }
0x30: {  	s3 =	sld [smem:$0x3FAE]  }
0x31: {  	[smem:$0x3FB7] =	sst s10  }
0x32: {  	s10 =	sld [smem:$0x3FB5];
	_ =	sdelay $0x3  }
0x33: {  	p0 =	seq.s32 s10, $0x1;
	s10 =	sld [smem:$0x3FB7];
	_ =	sdelay $0x3  }
0x34: {  	[smem:$0x3FB7] =	sst s10  }
0x35: {  	s10 =	sld [smem:$0x3FB6];
	_ =	sdelay $0x3  }
0x36: {  	p1 =	seq.s32 s10, $0x1;
	s10 =	sld [smem:$0x3FB7];
	_ =	sdelay $0x3  }
0x37: {  	[smem:$0x3FB7] =	sst s10  }
0x38: {  	s10 =	sld [smem:$0x3FB8]  }
0x39: {  	_ = 	snop;
	(pc) =	sbr.ind lr, $3  }
0x3a: {  	_ = 	snop  }
0x3b: {  	_ = 	snop  }
0x3c: {  	p2 =	seq.s32 s10, $0x1;
	s10 =	sld [smem:$0x3FB7]  }
0x3d: {  	_ =	shalt  }
0x3e: {  	_ =	shalt  }
0x3f: {  	_ =	shalt  }
0x40: {  	_ =	shalt  }
0x41: {  	_ =	shalt  }
0x42: {  	_ =	shalt  }
0x43: {  	_ =	shalt  }
0x44: {  	_ =	shalt  }
0x45: {  	_ =	shalt  }
0x46: {  	_ =	shalt  }
0x47: {  	_ =	shalt  }
0x48: {  	_ =	shalt  }
0x49: {  	_ =	shalt  }
0x4a: {  	_ =	shalt  }
0x4b: {  	_ =	shalt  }
0x4c: {  	_ =	shalt  }
0x4d: {  	_ =	shalt  }
0x4e: {  	_ =	shalt  }
0x4f: {  	_ =	shalt  }
0x50: {  	_ =	shalt  }
0x51: {  	_ =	shalt  }
0x52: {  	_ =	shalt  }
0x53: {  	_ =	shalt  }
0x54: {  	_ =	shalt  }
0x55: {  	_ =	shalt  }
0x56: {  	_ =	shalt  }
0x57: {  	_ =	shalt  }
0x58: {  	_ =	shalt  }
0x59: {  	_ =	shalt  }
0x5a: {  	_ =	shalt  }
0x5b: {  	_ =	shalt  }
0x5c: {  	_ =	shalt  }
0x5d: {  	_ =	shalt  }
0x5e: {  	_ =	shalt  }
0x5f: {  	_ =	shalt  }
0x60: {  	_ =	shalt  }
0x61: {  	_ =	shalt  }
0x62: {  	_ =	shalt  }
0x63: {  	_ =	shalt  }
0x64: {  	_ =	shalt  }
0x65: {  	_ =	shalt  }
0x66: {  	_ =	shalt  }
0x67: {  	_ =	shalt  }
0x68: {  	_ =	shalt  }
0x69: {  	_ =	shalt  }
0x6a: {  	_ =	shalt  }
0x6b: {  	_ =	shalt  }
0x6c: {  	_ =	shalt  }
0x6d: {  	_ =	shalt  }
0x6e: {  	_ =	shalt  }
0x6f: {  	_ =	shalt  }
0x70: {  	_ =	shalt  }
0x71: {  	_ =	shalt  }
0x72: {  	_ =	shalt  }
0x73: {  	_ =	shalt  }
0x74: {  	_ =	shalt  }
0x75: {  	_ =	shalt  }
0x76: {  	_ =	shalt  }
0x77: {  	_ =	shalt  }
0x78: {  	_ =	shalt  }
0x79: {  	_ =	shalt  }
0x7a: {  	_ =	shalt  }
0x7b: {  	_ =	shalt  }
0x7c: {  	_ =	shalt  }
0x7d: {  	_ =	shalt  }
0x7e: {  	_ =	shalt  }
0x7f: {  	_ =	shalt  }
0x80: {  	_ =	shalt  }
0x81: {  	_ =	shalt  }
0x82: {  	_ =	shalt  }
0x83: {  	_ =	shalt  }
0x84: {  	_ =	shalt  }
0x85: {  	_ =	shalt  }
0x86: {  	_ =	shalt  }
0x87: {  	_ =	shalt  }
.Lfunc_end0:
.L_simem_size_0:
called_computation_lowered:
.L_overlay_start_0:
0x88: {  	s2 =	sld [smem:$0x3FD9]  }
0x89: {  	s3 =	sld [smem:$0x3FFE];
	_ =	sdelay $0x1  }
0x8a: {  	s1 =	srdreg.scid  }
0x8b: {  	s0 =	sand.u32 $0x1, s1  }
0x8c: {  	s17 =	sshll.u32 s0, $0xA;
	s2 =	sadd.s32 s3, s2  }
0x8d: {  	s2 =	sadd.s32 s2, s17  }
0x8e: {  	[smem:$0x3FC3] =	sst s2  }
0x8f: {  	_ = 	snop  }
0x90: {  	s2 =	sld [smem:$0x3FC9]  }
0x91: {  	s18 =	sld [smem:$0x3FC6]  }
0x92: {  	s4 =	sld [smem:$0x3FD0];
	(tm) =	ssettm $0x1  }
0x93: {  	s5 =	sld [smem:$0x3FFB];
	_ =	sdelay $0x3  }
0x94: {  	_ =	strace s5  }
0x95: {  	s5 =	sld [smem:$0x3FFC];
	_ =	sdelay $0x3  }
0x96: {  	_ =	strace s5  }
0x97: {  	s5 =	sld [smem:$0x3FFD];
	_ =	sdelay $0x3  }
0x98: {  	_ =	strace s5  }
0x99: {  	_ =	strace $0x8FFFFFFF  }
0x9a: {  	s19 =	sld [smem:$0x3FDB];
	_ =	sdelay $0x1  }
0x9b: {  	s6 =	simm.s32 $_scs_section_size  }
0x9c: {  	s7 =	simm.s32 $_size__tile_overlayer_lowered;
	s8 =	simm.s32 $_tile_overlayer_lowered  }
0x9d: {  	s22 =	simm.s32 $0x1BFF;
	s21 =	sshll.u32 s8, $0x1;
	s5 =	sadd.s32 s6, s19  }
0x9e: {  	s9 =	simm.s32 $0x0;
	s20 =	sshll.u32 s7, $0x1;
	s7 =	sadd.s32 s21, s5  }
0x9f: {  	[timem:s9], [sflag:s22] =	dma.local [hbm:s7], s20  }
0xa0: {  	_ =	swait.ge [sflag:s22], s20  }
0xa1: {  	s6 =	ssub.s32 $0x0, s20;
	[sflag:s22] =	ssyncset.done $0x0  }
0xa2: {  	[sflag:s22] =	ssyncadd.s32 s6;
	_ =	sdelay $0x1  }
0xa3: {  	s23 =	simm.s32 $0x1B8B  }
0xa4: {  	_ =	swait.ge [sflag:s23], $0x1  }
0xa5: {  	[sflag:s23] =	ssyncset.done $0x0  }
0xa6: {  	s25 =	simm.s32 $0x1B8E;
	s24 =	sld [smem:$0x3FFE];
	[sflag:s23] =	ssyncadd.s32 $0xFFFFFFFF  }
0xa7: {  	s26 =	simm.s32 $execute0_lowered;
	[smem:$0x3FD2] =	sst s25  }
0xa8: {  	s7 =	sshll.u32 s26, $0x1;
	_ =	strace $0x80000046;
	[dreg:$0x1] =	wrdreg $0xFFFFFFFF  }
0xa9: {  	s28 =	simm.s32 $_size_execute0_lowered;
	s5 =	sadd.s32 s5, s7;
	[dreg:$0x0] =	wrdreg $0x0  }
0xaa: {  	s7 =	sshll.u32 s28, $0x1;
	[dreg:$0x2] =	wrdreg s5  }
0xab: {  	[dreg:$0x3] =	wrdreg s7  }
0xac: {  	[dreg:$0x4] =	wrdreg $0xC0  }
0xad: {  	_ =	task [dreg:s9], $0x5FFFF  }
0xae: {  	[dreg:$0x1] =	wrdreg $0xFFFFFFFF  }
0xaf: {  	[dreg:$0x0] =	wrdreg $0x60  }
0xb0: {  	[dreg:$0x2] =	wrdreg s2  }
0xb1: {  	[dreg:$0x3] =	wrdreg s24  }
0xb2: {  	[dreg:$0x4] =	wrdreg s18  }
0xb3: {  	[dreg:$0x5] =	wrdreg s4  }
0xb4: {  	[dreg:$0x6] =	wrdreg $0xC3000  }
0xb5: {  	[dreg:$0x7] =	wrdreg $0x9  }
0xb6: {  	_ =	task.clear_ibuf [dreg:s9], $0x8FFFF;
	_ =	strace $0x90000046  }
0xb7: {  	s29 =	simm.s32 $0x9;
	_ =	strace $0x80000048  }
0xb8: {  	_ =	swait.ge [sflag:s29], $0x1  }
0xb9: {  	[sflag:s29] =	ssyncadd.s32 $0xFFFFFFFF  }
0xba: {  	_ =	strace $0x90000048  }
0xbb: {  	_ =	sfence  }
0xbc: {  	s30 =	sld [smem:$0x0];
	_ =	sdelay $0x2  }
0xbd: {  	s31 =	sshll.u32 s1, $0xD;
	s1 =	sshrl.u32 s1, $0x2  }
0xbe: {  	s3 =	sand.u32 $0x4000, s31;
	s1 =	sadd.s32 s1, s30  }
0xbf: {  	s0 =	sor.u32 s3, s0;
	s1 =	sshll.u32 s1, $0x11  }
0xc0: {  	s0 =	sor.u32 s1, s0  }
0xc1: {  	s0 =	sadd.s32 $0x8F2B, s0  }
0xc2: {  	[sflag:s0] =	ssyncadd.remote.s32 $0x1  }
0xc3: {  	_ =	sfence.sel $0xFFFF  }
0xc4: {  	[dreg:$0x0] =	wrdreg $0xFFFFFFFF;
	(pc) =	sbr.abs _section_cstart, $3  }
0xc5: {  	[dreg:$0x1] =	wrdreg $0xFFFFFFFF  }
0xc6: {  	_ =	task.clear_ibuf [dreg:s9], $0x2FFFF;
	_ =	strace $0x9FFFFFFF  }
0xc7: {  	(tm) =	ssettm $0x7FFFFFFF  }
tec
execute0_lowered:
.L_overlay_start_1:
0x0: {  	(tag) =	ssettag $0x1  }
0x1: {  	s0 =	rddreg [dreg:$0x0]  }
0x2: {  	s2 =	rddreg [dreg:$0x1]  }
0x3: {  	s6 =	rddreg [dreg:$0x2]  }
0x4: {  	s10 =	rddreg [dreg:$0x3]  }
0x5: {  	s1 =	rddreg [dreg:$0x4];
	s3 =	simm.s32 $0x0  }
0x6: {  	s4 =	srdreg.scid;
	s13 =	stileid.u32;
	s14 =	simm.s32 $0x4000  }
0x7: {  	s15 =	simm.s32 $0x8000;
	s16 =	simm.s32 $0xC100;
	s17 =	simm.s32 $0x5  }
0x8: {  	s18 =	simm.s32 $0xC000;
	s19 =	simm.s32 $0x1;
	s20 =	simm.s32 $0x80  }
0x9: {  	s21 =	simm.s32 $0xC080;
	s22 =	simm.s32 $0x40;
	s28 =	simm.s32 $0x2  }
0xa: {  	s29 =	simm.s32 $0x3;
	s30 =	simm.s32 $0x4;
	s31 =	simm.s32 $0x0  }
0xb: {  	[smem:$0x7FF] =	sst s3;
	s4 =	sand.u32 $0x1, s4;
	s7 =	sshll.u32 s13, $0xA  }
0xc: {  	s8 =	sshll.u32 s13, $0x9;
	s9 =	sshll.u32 s13, $0xF;
	s26 =	sshll.u32 s13, $0x5  }
0xd: {  	s13 =	simm.s32 $0x800;
	s5 =	sshll.u32 s4, $0xA;
	s7 =	sand.u32 $0x3800, s7  }
0xe: {  	s11 =	sand.u32 $0x200, s8;
	_ =	strace $0x80000047;
	s4 =	ssub.s32 $0x2, s4  }
0xf: {  	s8 =	sadd.s32 s8, s1;
	s9 =	sor.u32 s5, s9;
	s7 =	sor.u32 s7, s11  }
0x10: {  	s25 =	sshrl.u32 s4, $0x1;
	s23 =	sshrl.u32 s9, $0x3;
	s5 =	sor.u32 s5, s7  }
0x11: {  	s12 =	ssub.s32 s4, s25;
	s9 =	sadd.s32 s0, s26;
	s25 =	simm.s32 $0xC0C0  }
0x12: {  	s26 =	simm.s32 $0x6000;
	s24 =	sadd.s32 s23, s2;
	s5 =	sshrl.u32 s5, $0x3  }
0x13: {  	s6 =	sadd.s32 s6, s23;
	s10 =	sadd.s32 s10, s23;
	s11 =	smax.u32 s12, $0x1  }
0x14: {  	s12 =	simm.s32 $0x400;
	s2 =	sadd.s32 s5, s2;
	s4 =	sadd.s32 $0x1000, s24  }
0x15: {  	s5 =	sadd.s32 $0x11000, s24;
	s24 =	simm.s32 $0x2000;
	s7 =	sadd.s32 $0x21000, s2  }
.LBB2_1:
0x16: {  	[tilespmem:s3], [sflag:$0x1] =	stream.strided.gather [hbm4b:s4+s12], $0x4000, s13, s12, $0x38;
	[tilespmem:$0xC500] =	vst v63  }
0x17: {  	_ = 	snop  }
0x18: {  	[tilespmem:s14], [sflag:$0x1] =	stream.strided.gather [hbm4b:s5+s12], $0x4000, s13, s12, $0x38;
	[tilespmem:$0xC500] =	vst v63  }
0x19: {  	_ = 	snop  }
0x1a: {  	[tilespmem:s15], [sflag:$0x2] =	stream.strided.gather [hbm4b:s6+s12], $0x4000, s13, s12, $0x38;
	[tilespmem:$0xC500] =	vst v63  }
0x1b: {  	_ = 	snop  }
0x1c: {  	[tilespmem:s16], [sflag:$0x5] =	stream.linear.gather [hbm4b:s7+s3], $0x200, $0x38;
	[tilespmem:$0xC500] =	vst v63  }
0x1d: {  	_ =	swait.ge [sflag:s17], $0x200  }
0x1e: {  	[sflag:s17] =	ssyncset.done $0x0  }
0x1f: {  	[sflag:s17] =	ssyncadd.s32 $0xFFFFFE00  }
0x20: {  	[spmem:s8] =	stream.linear.scatter [tilespmem:s16], [sflag:$0x5], $0x200, $0x38;
	[tilespmem:$0xC500] =	vst v63  }
0x21: {  	_ =	swait.ge [sflag:s17], $0x200  }
0x22: {  	[sflag:s17] =	ssyncset.done $0x0  }
0x23: {  	[sflag:s17] =	ssyncadd.s32 $0xFFFFFE00  }
0x24: {  	[tilespmem:s18], [sflag:$0x5] =	stream.linear.gather [hbm4b:s9+s3], $0x100, $0x38;
	[tilespmem:$0xC500] =	vst v63  }
0x25: {  	_ =	swait.ge [sflag:s17], $0x100  }
0x26: {  	[sflag:s17] =	ssyncset.done $0x0  }
0x27: {  	[sflag:s17] =	ssyncadd.s32 $0xFFFFFF00  }
0x28: {  	[bflag:$0x0] =	sbarrier.arrive $0xFFFF  }
0x29: {  	_ =	swait.ge [sflag:s19], $0x4000  }
0x2a: {  	[sflag:s19] =	ssyncset.done $0x0  }
0x2b: {  	[sflag:s19] =	ssyncadd.s32 $0xFFFFC000  }
0x2c: {  	_ =	swait.ge [sflag:s19], $0x4000  }
0x2d: {  	[sflag:s19] =	ssyncset.done $0x0  }
0x2e: {  	[sflag:s19] =	ssyncadd.s32 $0xFFFFC000  }
0x2f: {  	[spmem:s1] =	stream.indirect.scatter.add.f32 [tilespmem:s3], [sflag:$0x1], $0x80, s18, s20, $0xb8;
	[tilespmem:$0xC500] =	vst v63  }
0x30: {  	_ = 	snop  }
0x31: {  	[spmem:s1] =	stream.indirect.scatter.add.f32 [tilespmem:s14], [sflag:$0x1], $0x80, s21, s20, $0xb8;
	[tilespmem:$0xC500] =	vst v63  }
0x32: {  	_ =	swait.ge [sflag:s19], $0x4000  }
0x33: {  	[sflag:s19] =	ssyncset.done $0x0  }
0x34: {  	[sflag:s19] =	ssyncadd.s32 $0xFFFFC000  }
0x35: {  	_ =	swait.ge [sflag:s19], $0x4000  }
0x36: {  	[sflag:s19] =	ssyncset.done $0x0  }
0x37: {  	[sflag:s19] =	ssyncadd.s32 $0xFFFFC000  }
0x38: {  	[bflag:$0x0] =	sbarrier.arrive $0xFFFF  }
0x39: {  	[tilespmem:s3], [sflag:$0x3] =	stream.indirect.gather [spmem:s1], $0x80, s18, s22, $0xb8;
	[tilespmem:$0xC500] =	vst v63  }
0x3a: {  	_ = 	snop  }
0x3b: {  	[tilespmem:s14], [sflag:$0x3] =	stream.indirect.gather [spmem:s1], $0x80, s21, s22, $0xb8;
	[tilespmem:$0xC500] =	vst v63  }
0x3c: {  	s0 =	simm.s32 $0xC040  }
0x3d: {  	[tilespmem:s24], [sflag:$0x4] =	stream.indirect.gather [spmem:s1], $0x80, s0, s22, $0xb8;
	[tilespmem:$0xC500] =	vst v63  }
0x3e: {  	_ = 	snop  }
0x3f: {  	[tilespmem:s26], [sflag:$0x4] =	stream.indirect.gather [spmem:s1], $0x80, s25, s22, $0xb8;
	[tilespmem:$0xC500] =	vst v63  }
0x40: {  	_ =	swait.ge [sflag:s28], $0x4000  }
0x41: {  	[sflag:s28] =	ssyncset.done $0x0  }
0x42: {  	[sflag:s28] =	ssyncadd.s32 $0xFFFFC000  }
0x43: {  	_ =	swait.ge [sflag:s29], $0x2000  }
0x44: {  	[sflag:s29] =	ssyncset.done $0x0  }
0x45: {  	[sflag:s29] =	ssyncadd.s32 $0xFFFFE000  }
0x46: {  	_ =	swait.ge [sflag:s29], $0x2000  }
0x47: {  	[sflag:s29] =	ssyncset.done $0x0  }
0x48: {  	s0 =	simm.s32 $0x0;
	[sflag:s29] =	ssyncadd.s32 $0xFFFFE000  }
0x49: {  	v12 =	vld [tilespmem:s0+$0x0]  }
0x4a: {  	v17 =	vld [tilespmem:s0+$0x4000]  }
0x4b: {  	v19 =	vld [tilespmem:s0+$0x10]  }
0x4c: {  	v20 =	vld [tilespmem:s0+$0x4010]  }
0x4d: {  	v5 =	vld [tilespmem:s0+$0x20]  }
0x4e: {  	v10 =	vld [tilespmem:s0+$0x4020]  }
0x4f: {  	v8 =	vld [tilespmem:s0+$0x30]  }
0x50: {  	v11 =	vld [tilespmem:s0+$0x4030]  }
0x51: {  	v7 =	vld [tilespmem:s0+$0x40]  }
0x52: {  	v9 =	vld [tilespmem:s0+$0x4040]  }
0x53: {  	v3 =	vld [tilespmem:s0+$0x50]  }
0x54: {  	v6 =	vld [tilespmem:s0+$0x4050]  }
0x55: {  	v1 =	vld [tilespmem:s0+$0x60]  }
0x56: {  	v4 =	vld [tilespmem:s0+$0x4060]  }
0x57: {  	v0 =	vld [tilespmem:s0+$0x70]  }
0x58: {  	v2 =	vld [tilespmem:s0+$0x4070]  }
0x59: {  	v16 =	vld [tilespmem:s0+$0x8000]  }
0x5a: {  	v15 =	vld [tilespmem:s0+$0x8010]  }
0x5b: {  	v14 =	vld [tilespmem:s0+$0x8020]  }
0x5c: {  	v13 =	vld [tilespmem:s0+$0x8030];
	v18 =	vadd.f32 v17, v12  }
0x5d: {  	s2 =	simm.s32 $0x200;
	v17 =	vadd.f32 v20, v19;
	v12 =	vld [tilespmem:s0+$0x8040]  }
.LBB2_2:
0x5e: {  	p0 =	sne.s32 s2, $0x7E00;
	v16 =	vmul.f32 v16, v18;
	v5 =	vadd.f32 v10, v5;
	v10 =	vld [tilespmem:s0+$0x8050]  }
0x5f: {  	v8 =	vadd.f32 v11, v8;
	v15 =	vmul.f32 v15, v17;
	v11 =	vld [tilespmem:s0+$0x8060]  }
0x60: {  	s23 =	sshra.s32 s2, $0x2;
	v7 =	vadd.f32 v9, v7;
	[tilespmem:s0+$0x8000] =	vst v16;
	v5 =	vmul.f32 v14, v5;
	v9 =	vld [tilespmem:s0+$0x8070]  }
0x61: {  	v3 =	vadd.f32 v6, v3;
	v17 =	vld [tilespmem:s23+$0x0];
	[tilespmem:s0+$0x8010] =	vst v15;
	v8 =	vmul.f32 v13, v8  }
0x62: {  	v1 =	vadd.f32 v4, v1;
	v13 =	vld [tilespmem:s23+$0x4000];
	[tilespmem:s0+$0x8020] =	vst v5;
	v5 =	vmul.f32 v12, v7  }
0x63: {  	v0 =	vadd.f32 v2, v0;
	v12 =	vld [tilespmem:s23+$0x10];
	[tilespmem:s0+$0x8030] =	vst v8;
	v3 =	vmul.f32 v10, v3  }
0x64: {  	v19 =	vld [tilespmem:s23+$0x4010];
	[tilespmem:s0+$0x8040] =	vst v5;
	v1 =	vmul.f32 v11, v1  }
0x65: {  	v5 =	vld [tilespmem:s23+$0x20];
	[tilespmem:s0+$0x8050] =	vst v3;
	v0 =	vmul.f32 v9, v0  }
0x66: {  	v10 =	vld [tilespmem:s23+$0x4020];
	[tilespmem:s0+$0x8060] =	vst v1  }
0x67: {  	v8 =	vld [tilespmem:s23+$0x30];
	[tilespmem:s0+$0x8070] =	vst v0;
	s0 =	smov.u32 s23  }
0x68: {  	v11 =	vld [tilespmem:s0+$0x4030]  }
0x69: {  	v7 =	vld [tilespmem:s0+$0x40]  }
0x6a: {  	v9 =	vld [tilespmem:s0+$0x4040]  }
0x6b: {  	v3 =	vld [tilespmem:s0+$0x50]  }
0x6c: {  	v6 =	vld [tilespmem:s0+$0x4050]  }
0x6d: {  	v1 =	vld [tilespmem:s0+$0x60]  }
0x6e: {  	v4 =	vld [tilespmem:s0+$0x4060]  }
0x6f: {  	v0 =	vld [tilespmem:s0+$0x70]  }
0x70: {  	v2 =	vld [tilespmem:s0+$0x4070]  }
.Ltmp0:
0x71: {  	v16 =	vld [tilespmem:s0+$0x8000];
	(pc) =	sbr.rel @p0 .LBB2_2-.Ltmp0, $4  }
0x72: {  	v15 =	vld [tilespmem:s0+$0x8010]  }
0x73: {  	v14 =	vld [tilespmem:s0+$0x8020]  }
0x74: {  	v18 =	vadd.f32 v13, v17;
	v13 =	vld [tilespmem:s0+$0x8030]  }
0x75: {  	s2 =	sadd.s32 $0x200, s2;
	v17 =	vadd.f32 v19, v12;
	v12 =	vld [tilespmem:s0+$0x8040]  }
0x76: {  	v16 =	vmul.f32 v16, v18;
	v18 =	vld [tilespmem:s0+$0x8050];
	v5 =	vadd.f32 v10, v5  }
0x77: {  	v10 =	vld [tilespmem:s0+$0x8060];
	v8 =	vadd.f32 v11, v8;
	v15 =	vmul.f32 v15, v17  }
0x78: {  	v7 =	vadd.f32 v9, v7;
	v9 =	vld [tilespmem:s0+$0x8070];
	[tilespmem:s0+$0x8000] =	vst v16;
	v5 =	vmul.f32 v14, v5  }
0x79: {  	v3 =	vadd.f32 v6, v3;
	[tilespmem:s0+$0x8010] =	vst v15;
	v8 =	vmul.f32 v13, v8  }
0x7a: {  	v1 =	vadd.f32 v4, v1;
	[tilespmem:s0+$0x8020] =	vst v5;
	v5 =	vmul.f32 v12, v7  }
0x7b: {  	v0 =	vadd.f32 v2, v0;
	[tilespmem:s0+$0x8030] =	vst v8;
	v3 =	vmul.f32 v18, v3  }
0x7c: {  	v1 =	vmul.f32 v10, v1;
	[tilespmem:s0+$0x8040] =	vst v5  }
0x7d: {  	v0 =	vmul.f32 v9, v0;
	[tilespmem:s0+$0x8050] =	vst v3  }
0x7e: {  	[tilespmem:s0+$0x8060] =	vst v1  }
0x7f: {  	[tilespmem:s0+$0x8070] =	vst v0  }
0x80: {  	_ =	swait.ge [sflag:s30], $0x2000  }
0x81: {  	[sflag:s30] =	ssyncset.done $0x0  }
0x82: {  	[sflag:s30] =	ssyncadd.s32 $0xFFFFE000  }
0x83: {  	_ =	swait.ge [sflag:s30], $0x2000  }
0x84: {  	[sflag:s30] =	ssyncset.done $0x0  }
0x85: {  	s0 =	simm.s32 $0x0;
	[sflag:s30] =	ssyncadd.s32 $0xFFFFE000  }
0x86: {  	v12 =	vld [tilespmem:s0+$0x2000]  }
0x87: {  	v17 =	vld [tilespmem:s0+$0x6000]  }
0x88: {  	v19 =	vld [tilespmem:s0+$0x2010]  }
0x89: {  	v20 =	vld [tilespmem:s0+$0x6010]  }
0x8a: {  	v5 =	vld [tilespmem:s0+$0x2020]  }
0x8b: {  	v10 =	vld [tilespmem:s0+$0x6020]  }
0x8c: {  	v8 =	vld [tilespmem:s0+$0x2030]  }
0x8d: {  	v11 =	vld [tilespmem:s0+$0x6030]  }
0x8e: {  	v7 =	vld [tilespmem:s0+$0x2040]  }
0x8f: {  	v9 =	vld [tilespmem:s0+$0x6040]  }
0x90: {  	v3 =	vld [tilespmem:s0+$0x2050]  }
0x91: {  	v6 =	vld [tilespmem:s0+$0x6050]  }
0x92: {  	v1 =	vld [tilespmem:s0+$0x2060]  }
0x93: {  	v4 =	vld [tilespmem:s0+$0x6060]  }
0x94: {  	v0 =	vld [tilespmem:s0+$0x2070]  }
0x95: {  	v2 =	vld [tilespmem:s0+$0x6070]  }
0x96: {  	v16 =	vld [tilespmem:s0+$0xA000]  }
0x97: {  	v15 =	vld [tilespmem:s0+$0xA010]  }
0x98: {  	v14 =	vld [tilespmem:s0+$0xA020]  }
0x99: {  	v13 =	vld [tilespmem:s0+$0xA030];
	v18 =	vadd.f32 v17, v12  }
0x9a: {  	s2 =	simm.s32 $0x200;
	v17 =	vadd.f32 v20, v19;
	v12 =	vld [tilespmem:s0+$0xA040]  }
.LBB2_4:
0x9b: {  	p0 =	sne.s32 s2, $0x7E00;
	v16 =	vmul.f32 v16, v18;
	v5 =	vadd.f32 v10, v5;
	v10 =	vld [tilespmem:s0+$0xA050]  }
0x9c: {  	v8 =	vadd.f32 v11, v8;
	v15 =	vmul.f32 v15, v17;
	v11 =	vld [tilespmem:s0+$0xA060]  }
0x9d: {  	s23 =	sshra.s32 s2, $0x2;
	v7 =	vadd.f32 v9, v7;
	[tilespmem:s0+$0xA000] =	vst v16;
	v5 =	vmul.f32 v14, v5;
	v9 =	vld [tilespmem:s0+$0xA070]  }
0x9e: {  	v3 =	vadd.f32 v6, v3;
	v17 =	vld [tilespmem:s23+$0x2000];
	[tilespmem:s0+$0xA010] =	vst v15;
	v8 =	vmul.f32 v13, v8  }
0x9f: {  	v1 =	vadd.f32 v4, v1;
	v13 =	vld [tilespmem:s23+$0x6000];
	[tilespmem:s0+$0xA020] =	vst v5;
	v5 =	vmul.f32 v12, v7  }
0xa0: {  	v0 =	vadd.f32 v2, v0;
	v12 =	vld [tilespmem:s23+$0x2010];
	[tilespmem:s0+$0xA030] =	vst v8;
	v3 =	vmul.f32 v10, v3  }
0xa1: {  	v19 =	vld [tilespmem:s23+$0x6010];
	[tilespmem:s0+$0xA040] =	vst v5;
	v1 =	vmul.f32 v11, v1  }
0xa2: {  	v5 =	vld [tilespmem:s23+$0x2020];
	[tilespmem:s0+$0xA050] =	vst v3;
	v0 =	vmul.f32 v9, v0  }
0xa3: {  	v10 =	vld [tilespmem:s23+$0x6020];
	[tilespmem:s0+$0xA060] =	vst v1  }
0xa4: {  	v8 =	vld [tilespmem:s23+$0x2030];
	[tilespmem:s0+$0xA070] =	vst v0;
	s0 =	smov.u32 s23  }
0xa5: {  	v11 =	vld [tilespmem:s0+$0x6030]  }
0xa6: {  	v7 =	vld [tilespmem:s0+$0x2040]  }
0xa7: {  	v9 =	vld [tilespmem:s0+$0x6040]  }
0xa8: {  	v3 =	vld [tilespmem:s0+$0x2050]  }
0xa9: {  	v6 =	vld [tilespmem:s0+$0x6050]  }
0xaa: {  	v1 =	vld [tilespmem:s0+$0x2060]  }
0xab: {  	v4 =	vld [tilespmem:s0+$0x6060]  }
0xac: {  	v0 =	vld [tilespmem:s0+$0x2070]  }
0xad: {  	v2 =	vld [tilespmem:s0+$0x6070]  }
.Ltmp1:
0xae: {  	v16 =	vld [tilespmem:s0+$0xA000];
	(pc) =	sbr.rel @p0 .LBB2_4-.Ltmp1, $4  }
0xaf: {  	v15 =	vld [tilespmem:s0+$0xA010]  }
0xb0: {  	v14 =	vld [tilespmem:s0+$0xA020]  }
0xb1: {  	v18 =	vadd.f32 v13, v17;
	v13 =	vld [tilespmem:s0+$0xA030]  }
0xb2: {  	s2 =	sadd.s32 $0x200, s2;
	v17 =	vadd.f32 v19, v12;
	v12 =	vld [tilespmem:s0+$0xA040]  }
0xb3: {  	v16 =	vmul.f32 v16, v18;
	v60 =	vld [tilespmem:s0+$0xA050];
	v5 =	vadd.f32 v10, v5  }
0xb4: {  	v61 =	vld [tilespmem:s0+$0xA060];
	v8 =	vadd.f32 v11, v8;
	v15 =	vmul.f32 v15, v17  }
0xb5: {  	v7 =	vadd.f32 v9, v7;
	v62 =	vld [tilespmem:s0+$0xA070];
	[tilespmem:s0+$0xA000] =	vst v16;
	v5 =	vmul.f32 v14, v5  }
0xb6: {  	v3 =	vadd.f32 v6, v3;
	[tilespmem:s0+$0xA010] =	vst v15;
	v8 =	vmul.f32 v13, v8  }
0xb7: {  	v1 =	vadd.f32 v4, v1;
	[tilespmem:s0+$0xA020] =	vst v5;
	v63 =	vmul.f32 v12, v7  }
0xb8: {  	v0 =	vadd.f32 v2, v0;
	[tilespmem:s0+$0xA030] =	vst v8;
	v3 =	vmul.f32 v60, v3  }
0xb9: {  	v1 =	vmul.f32 v61, v1;
	[tilespmem:s0+$0xA040] =	vst v63  }
0xba: {  	s31 =	sadd.s32 $0x1, s31;
	v0 =	vmul.f32 v62, v0;
	[tilespmem:s0+$0xA050] =	vst v3  }
0xbb: {  	p0 =	sne.s32 s31, s11;
	[tilespmem:s0+$0xA060] =	vst v1  }
.Ltmp2:
0xbc: {  	[tilespmem:s0+$0xA070] =	vst v0;
	(pc) =	sbr.rel @p0 .LBB2_1-.Ltmp2, $4  }
0xbd: {  	[hbm4b:s10+s12] =	stream.strided.scatter [tilespmem:s15], [sflag:$0x5], $0x4000, s13, s12, $0x38;
	[tilespmem:$0xC500] =	vst v63  }
0xbe: {  	_ =	swait.ge [sflag:s17], $0x4000  }
0xbf: {  	[sflag:s17] =	ssyncset.done $0x0  }
0xc0: {  	[sflag:s17] =	ssyncadd.s32 $0xFFFFC000  }
0xc1: {  	_ =	sfence.sel $0x180000  }
0xc2: {  	[bflag:$0x0] =	sbarrier.arrive $0xFFFF  }
0xc3: {  	_ =	strace $0x90000047  }
0xc4: {  	s0 =	stileid.u32;
	[bflag:$0x2] =	sbarrier.arrive $0xFFFF  }
0xc5: {  	p0 =	sne.s32 s0, $0x0;
	s0 =	rddreg [dreg:$0x5]  }
0xc6: {  	s0 =	sadd.s32 @!p0 $0x100000, s0  }
0xc7: {  	[sflag:s0] =	ssyncadd.tile.s32 @!p0 $0x1;
	_ =	shalt  }
.Lfunc_end2:
_tile_overlayer_lowered:
.L_overlay_start_2:
0xc8: {  	(tag) =	ssettag $0x2  }
0xc9: {  	s0 =	rddreg [dreg:$0x0];
	s2 =	stileid.u32  }
0xca: {  	s1 =	rddreg [dreg:$0x1];
	p0 =	sne.s32 s2, $0x0  }
0xcb: {  	s3 =	rddreg [dreg:$0x2];
	[bflag:$0x3] =	sbarrier.arrive $0xFFFF;
	s2 =	simm.s32 @!p0 $0x1C05  }
0xcc: {  	[timem:s3], [sflag:s2] =	dma.local @!p0 [hbm:s0], s1  }
0xcd: {  	s0 =	simm.s32 @!p0 $0x5  }
0xce: {  	_ =	swait.ge @!p0 [sflag:s0], s1  }
0xcf: {  	s1 =	ssub.s32 @!p0 $0x0, s1;
	[sflag:s0] =	ssyncset.done @!p0 $0x0  }
0xd0: {  	[sflag:s0] =	ssyncadd.s32 @!p0 s1  }
0xd1: {  	[bflag:$0x3] =	sbarrier.arrive $0xFFFF  }
0xd2: {  	_ =	shalt  }

</sc_bundles>
